<compile_context>
chip_gen: v7x
topology: tpu7x:2x2x1
jax: 0.10.2.dev20260603
libtpu: 0.0.44.dev20260713+nightly
codegen_flags: <defaults>
</compile_context>

<pallas_src>
import functools

import jax
import jax.numpy as jnp
from jax import lax
from jax.experimental import pallas as pl
from jax.experimental.pallas import tpu as pltpu
from jax.experimental.pallas import tpu_sc as plsc

BATCH = 4
SEQ = 8192
DIM = 1024
CHUNK = 56


def _pos_embed_kernel(table_hbm, out_hbm, buf0, buf1, rs0, rs1, ws0, ws1):
    info = plsc.get_sparse_core_info()
    nc, ns = info.num_cores, info.num_subcores
    nw = nc * ns
    rows_per_w = SEQ // nw
    wid = lax.axis_index("s") * nc + lax.axis_index("c")
    base = wid * rows_per_w

    sizes = [CHUNK] * (rows_per_w // CHUNK)
    if rows_per_w % CHUNK:
        sizes.append(rows_per_w % CHUNK)
    offs = [sum(sizes[:i]) for i in range(len(sizes))]
    n = len(sizes)

    bufs = (buf0, buf1)
    rsems = (rs0, rs1)
    wsems = (ws0, ws1)

    def read(i):
        return pltpu.async_copy(
            table_hbm.at[pl.ds(base + offs[i], sizes[i])],
            bufs[i % 2].at[pl.ds(0, sizes[i])], rsems[i % 2])

    def write(i, b):
        return pltpu.async_copy(
            bufs[i % 2].at[pl.ds(0, sizes[i])],
            out_hbm.at[b, pl.ds(base + offs[i], sizes[i])], wsems[i % 2])

    rd = [None] * n
    wr = [None] * n
    rd[0] = read(0)
    if n > 1:
        rd[1] = read(1)
    for i in range(n):
        rd[i].wait()
        wr[i] = [write(i, b) for b in range(BATCH)]
        if i + 2 < n:
            for h in wr[i]:
                h.wait()
            rd[i + 2] = read(i + 2)
    for i in range(max(0, n - 2), n):
        for h in wr[i]:
            h.wait()


@jax.jit
def _pos_embed(table):
    mesh = plsc.VectorSubcoreMesh(core_axis_name="c", subcore_axis_name="s")
    fn = functools.partial(
        pl.kernel,
        mesh=mesh,
        out_type=jax.ShapeDtypeStruct((BATCH, SEQ, DIM), jnp.float32),
        scratch_types=[
            pltpu.VMEM((CHUNK, DIM), jnp.float32),
            pltpu.VMEM((CHUNK, DIM), jnp.float32),
            pltpu.SemaphoreType.DMA,
            pltpu.SemaphoreType.DMA,
            pltpu.SemaphoreType.DMA,
            pltpu.SemaphoreType.DMA,
        ],
    )(_pos_embed_kernel)
    return fn(table)


def kernel(inputs, table):
    del inputs
    return _pos_embed(table)

# --- scband reference (transcript-rebuilt; emitter-appended) ---
"""Pipeline reference for scband-positional-embedding-35261681500725 (READ-ONLY COPY).

The authoritative reference and input builder live on the scoring server;
editing this copy changes nothing except your own understanding.
"""

import jax, jax.numpy as jnp
import numpy as np

NUM_EMBEDDINGS = 8192
EMBEDDING_DIM = 1024

def setup_inputs(seed: int = 0) -> dict:
    key = jax.random.key(seed)
    k1, k2 = jax.random.split(key)
    inputs = jax.random.randint(k1, (4, 8192), 0, 8192, dtype=jnp.int64 if jax.config.jax_enable_x64 else jnp.int32).astype(jnp.int32)
    table = jax.random.normal(k2, (NUM_EMBEDDINGS, EMBEDDING_DIM), dtype=jnp.float32) * 0.02
    return {"inputs": inputs, "table": table}

def reference(inputs, table):
    bsz, seq_length = inputs.shape[:2]
    position_ids = jnp.arange(seq_length, dtype=jnp.int32)
    position_ids = jnp.tile(position_ids[None, :], (bsz, 1))
    position_embeddings = jnp.take(table, position_ids, axis=0)
    return position_embeddings

if __name__ == "__main__":
    import jax
    _d = setup_inputs()
    print(jax.jit(kernel)(*tuple(_d.values())))

</pallas_src>

<mosaic_0001>
#map = affine_map<(d0, d1) -> (0, 0)>
#map1 = affine_map<(d0, d1) -> (0, 0, 0)>
module attributes {stable_mosaic.version = 14 : i64} {
  func.func @_pos_embed_kernel(%arg0: i32, %arg1: i32, %arg2: memref<8192x1024xf32, #tpu.memory_space<hbm>>, %arg3: memref<4x8192x1024xf32, #tpu.memory_space<hbm>>, %arg4: memref<56x1024xf32, #tpu.memory_space<vmem>>, %arg5: memref<56x1024xf32, #tpu.memory_space<vmem>>, %arg6: memref<!tpu.dma_semaphore, #tpu.memory_space<semaphore_mem>>, %arg7: memref<!tpu.dma_semaphore, #tpu.memory_space<semaphore_mem>>, %arg8: memref<!tpu.dma_semaphore, #tpu.memory_space<semaphore_mem>>, %arg9: memref<!tpu.dma_semaphore, #tpu.memory_space<semaphore_mem>>) attributes {dimension_semantics = [#tpu.dimension_semantics<core_parallel>, #tpu.dimension_semantics<subcore_parallel>], iteration_bounds = array<i64: 2, 16>, scalar_prefetch = 0 : i64, scratch_operands = 6 : i64, tpu.core_type = #tpu.core_type<sc_vector_subcore>, window_params = [{transform_indices = #map}, {transform_indices = #map1}]} {
    %mul3A = arith.constant 2 : i32
    %mul3A_0 = arith.muli %arg1, %mul3A : i32
    %add3A = arith.addi %mul3A_0, %arg0 : i32
    %mul3A_1 = arith.constant 256 : i32
    %mul3A_2 = arith.muli %add3A, %mul3A_1 : i32
    %add3A_3 = arith.constant 0 : i32
    %add3A_4 = arith.addi %mul3A_2, %add3A_3 : i32
    %dma_start3A = arith.constant 0 : i32
    %dma_start3A_5 = arith.constant 0 : i32
    %dma_start3A_6 = tpu.memref_slice %arg4[%dma_start3A, %dma_start3A_5] : memref<56x1024xf32, #tpu.memory_space<vmem>> -> memref<56x1024xf32, #tpu.memory_space<vmem>>
    %dma_start3A_7 = arith.constant 0 : i32
    %dma_start3A_8 = tpu.memref_slice %arg2[%add3A_4, %dma_start3A_7] : memref<8192x1024xf32, #tpu.memory_space<hbm>> -> memref<56x1024xf32, #tpu.memory_space<hbm>>
    %dma_start3A_9 = arith.constant 0 : i32
    %dma_start3A_10 = arith.constant 0 : i32
    %dma_start3A_11 = tpu.memref_slice %arg4[%dma_start3A_9, %dma_start3A_10] : memref<56x1024xf32, #tpu.memory_space<vmem>> -> memref<56x1024xf32, #tpu.memory_space<vmem>>
    %dma_start3A_12 = arith.constant 0 : i32
    %dma_start3A_13 = tpu.memref_slice %arg2[%add3A_4, %dma_start3A_12] : memref<8192x1024xf32, #tpu.memory_space<hbm>> -> memref<56x1024xf32, #tpu.memory_space<hbm>>
    tpu.enqueue_dma source(%dma_start3A_13 : memref<56x1024xf32, #tpu.memory_space<hbm>>) target(%dma_start3A_11 : memref<56x1024xf32, #tpu.memory_space<vmem>>) target_semaphore(%arg6 : memref<!tpu.dma_semaphore, #tpu.memory_space<semaphore_mem>>)
    %add3A_14 = arith.constant 56 : i32
    %add3A_15 = arith.addi %mul3A_2, %add3A_14 : i32
    %dma_start3A_16 = arith.constant 0 : i32
    %dma_start3A_17 = arith.constant 0 : i32
    %dma_start3A_18 = tpu.memref_slice %arg5[%dma_start3A_16, %dma_start3A_17] : memref<56x1024xf32, #tpu.memory_space<vmem>> -> memref<56x1024xf32, #tpu.memory_space<vmem>>
    %dma_start3A_19 = arith.constant 0 : i32
    %dma_start3A_20 = tpu.memref_slice %arg2[%add3A_15, %dma_start3A_19] : memref<8192x1024xf32, #tpu.memory_space<hbm>> -> memref<56x1024xf32, #tpu.memory_space<hbm>>
    %dma_start3A_21 = arith.constant 0 : i32
    %dma_start3A_22 = arith.constant 0 : i32
    %dma_start3A_23 = tpu.memref_slice %arg5[%dma_start3A_21, %dma_start3A_22] : memref<56x1024xf32, #tpu.memory_space<vmem>> -> memref<56x1024xf32, #tpu.memory_space<vmem>>
    %dma_start3A_24 = arith.constant 0 : i32
    %dma_start3A_25 = tpu.memref_slice %arg2[%add3A_15, %dma_start3A_24] : memref<8192x1024xf32, #tpu.memory_space<hbm>> -> memref<56x1024xf32, #tpu.memory_space<hbm>>
    tpu.enqueue_dma source(%dma_start3A_25 : memref<56x1024xf32, #tpu.memory_space<hbm>>) target(%dma_start3A_23 : memref<56x1024xf32, #tpu.memory_space<vmem>>) target_semaphore(%arg7 : memref<!tpu.dma_semaphore, #tpu.memory_space<semaphore_mem>>)
    %dma_wait3A = arith.constant 0 : i32
    %dma_wait3A_26 = arith.constant 0 : i32
    %dma_wait3A_27 = tpu.memref_slice %arg4[%dma_wait3A, %dma_wait3A_26] : memref<56x1024xf32, #tpu.memory_space<vmem>> -> memref<56x1024xf32, #tpu.memory_space<vmem>>
    %dma_wait3A_28 = arith.constant 0 : i32
    %dma_wait3A_29 = tpu.memref_slice %arg2[%add3A_4, %dma_wait3A_28] : memref<8192x1024xf32, #tpu.memory_space<hbm>> -> memref<56x1024xf32, #tpu.memory_space<hbm>>
    %dma_wait3A_30 = arith.constant 0 : i32
    %dma_wait3A_31 = arith.constant 0 : i32
    %dma_wait3A_32 = tpu.memref_slice %arg4[%dma_wait3A_30, %dma_wait3A_31] : memref<56x1024xf32, #tpu.memory_space<vmem>> -> memref<56x1024xf32, #tpu.memory_space<vmem>>
    %dma_wait3A_33 = arith.constant 0 : i32
    %dma_wait3A_34 = tpu.memref_slice %arg2[%add3A_4, %dma_wait3A_33] : memref<8192x1024xf32, #tpu.memory_space<hbm>> -> memref<56x1024xf32, #tpu.memory_space<hbm>>
    tpu.wait_dma2 semaphore(%arg6 : memref<!tpu.dma_semaphore, #tpu.memory_space<semaphore_mem>>) src(%dma_wait3A_34 : memref<56x1024xf32, #tpu.memory_space<hbm>>) dst(%dma_wait3A_32 : memref<56x1024xf32, #tpu.memory_space<vmem>>)
    %add3A_35 = arith.constant 0 : i32
    %add3A_36 = arith.addi %mul3A_2, %add3A_35 : i32
    %dma_start3A_37 = arith.constant 0 : i32
    %dma_start3A_38 = arith.constant 0 : i32
    %dma_start3A_39 = arith.constant 0 : i32
    %dma_start3A_40 = tpu.memref_slice %arg4[%dma_start3A_38, %dma_start3A_39] : memref<56x1024xf32, #tpu.memory_space<vmem>> -> memref<56x1024xf32, #tpu.memory_space<vmem>>
    %dma_start3A_41 = arith.constant 0 : i32
    %dma_start3A_42 = tpu.memref_slice %arg3[%dma_start3A_37, %add3A_36, %dma_start3A_41] : memref<4x8192x1024xf32, #tpu.memory_space<hbm>> -> memref<1x56x1024xf32, #tpu.memory_space<hbm>>
    %dma_start3A_43 = tpu.memref_squeeze %dma_start3A_42 : memref<1x56x1024xf32, #tpu.memory_space<hbm>> -> memref<56x1024xf32, #tpu.memory_space<hbm>>
    %dma_start3A_44 = arith.constant 0 : i32
    %dma_start3A_45 = tpu.memref_slice %arg3[%dma_start3A_37, %add3A_36, %dma_start3A_44] : memref<4x8192x1024xf32, #tpu.memory_space<hbm>> -> memref<1x56x1024xf32, #tpu.memory_space<hbm>>
    %dma_start3A_46 = tpu.memref_squeeze %dma_start3A_45 : memref<1x56x1024xf32, #tpu.memory_space<hbm>> -> memref<56x1024xf32, #tpu.memory_space<hbm>>
    %dma_start3A_47 = arith.constant 0 : i32
    %dma_start3A_48 = arith.constant 0 : i32
    %dma_start3A_49 = tpu.memref_slice %arg4[%dma_start3A_47, %dma_start3A_48] : memref<56x1024xf32, #tpu.memory_space<vmem>> -> memref<56x1024xf32, #tpu.memory_space<vmem>>
    tpu.enqueue_dma source(%dma_start3A_49 : memref<56x1024xf32, #tpu.memory_space<vmem>>) target(%dma_start3A_46 : memref<56x1024xf32, #tpu.memory_space<hbm>>) target_semaphore(%arg8 : memref<!tpu.dma_semaphore, #tpu.memory_space<semaphore_mem>>)
    %add3A_50 = arith.constant 0 : i32
    %add3A_51 = arith.addi %mul3A_2, %add3A_50 : i32
    %dma_start3A_52 = arith.constant 1 : i32
    %dma_start3A_53 = arith.constant 0 : i32
    %dma_start3A_54 = arith.constant 0 : i32
    %dma_start3A_55 = tpu.memref_slice %arg4[%dma_start3A_53, %dma_start3A_54] : memref<56x1024xf32, #tpu.memory_space<vmem>> -> memref<56x1024xf32, #tpu.memory_space<vmem>>
    %dma_start3A_56 = arith.constant 0 : i32
    %dma_start3A_57 = tpu.memref_slice %arg3[%dma_start3A_52, %add3A_51, %dma_start3A_56] : memref<4x8192x1024xf32, #tpu.memory_space<hbm>> -> memref<1x56x1024xf32, #tpu.memory_space<hbm>>
    %dma_start3A_58 = tpu.memref_squeeze %dma_start3A_57 : memref<1x56x1024xf32, #tpu.memory_space<hbm>> -> memref<56x1024xf32, #tpu.memory_space<hbm>>
    %dma_start3A_59 = arith.constant 0 : i32
    %dma_start3A_60 = tpu.memref_slice %arg3[%dma_start3A_52, %add3A_51, %dma_start3A_59] : memref<4x8192x1024xf32, #tpu.memory_space<hbm>> -> memref<1x56x1024xf32, #tpu.memory_space<hbm>>
    %dma_start3A_61 = tpu.memref_squeeze %dma_start3A_60 : memref<1x56x1024xf32, #tpu.memory_space<hbm>> -> memref<56x1024xf32, #tpu.memory_space<hbm>>
    %dma_start3A_62 = arith.constant 0 : i32
    %dma_start3A_63 = arith.constant 0 : i32
    %dma_start3A_64 = tpu.memref_slice %arg4[%dma_start3A_62, %dma_start3A_63] : memref<56x1024xf32, #tpu.memory_space<vmem>> -> memref<56x1024xf32, #tpu.memory_space<vmem>>
    tpu.enqueue_dma source(%dma_start3A_64 : memref<56x1024xf32, #tpu.memory_space<vmem>>) target(%dma_start3A_61 : memref<56x1024xf32, #tpu.memory_space<hbm>>) target_semaphore(%arg8 : memref<!tpu.dma_semaphore, #tpu.memory_space<semaphore_mem>>)
    %add3A_65 = arith.constant 0 : i32
    %add3A_66 = arith.addi %mul3A_2, %add3A_65 : i32
    %dma_start3A_67 = arith.constant 2 : i32
    %dma_start3A_68 = arith.constant 0 : i32
    %dma_start3A_69 = arith.constant 0 : i32
    %dma_start3A_70 = tpu.memref_slice %arg4[%dma_start3A_68, %dma_start3A_69] : memref<56x1024xf32, #tpu.memory_space<vmem>> -> memref<56x1024xf32, #tpu.memory_space<vmem>>
    %dma_start3A_71 = arith.constant 0 : i32
    %dma_start3A_72 = tpu.memref_slice %arg3[%dma_start3A_67, %add3A_66, %dma_start3A_71] : memref<4x8192x1024xf32, #tpu.memory_space<hbm>> -> memref<1x56x1024xf32, #tpu.memory_space<hbm>>
    %dma_start3A_73 = tpu.memref_squeeze %dma_start3A_72 : memref<1x56x1024xf32, #tpu.memory_space<hbm>> -> memref<56x1024xf32, #tpu.memory_space<hbm>>
    %dma_start3A_74 = arith.constant 0 : i32
    %dma_start3A_75 = tpu.memref_slice %arg3[%dma_start3A_67, %add3A_66, %dma_start3A_74] : memref<4x8192x1024xf32, #tpu.memory_space<hbm>> -> memref<1x56x1024xf32, #tpu.memory_space<hbm>>
    %dma_start3A_76 = tpu.memref_squeeze %dma_start3A_75 : memref<1x56x1024xf32, #tpu.memory_space<hbm>> -> memref<56x1024xf32, #tpu.memory_space<hbm>>
    %dma_start3A_77 = arith.constant 0 : i32
    %dma_start3A_78 = arith.constant 0 : i32
    %dma_start3A_79 = tpu.memref_slice %arg4[%dma_start3A_77, %dma_start3A_78] : memref<56x1024xf32, #tpu.memory_space<vmem>> -> memref<56x1024xf32, #tpu.memory_space<vmem>>
    tpu.enqueue_dma source(%dma_start3A_79 : memref<56x1024xf32, #tpu.memory_space<vmem>>) target(%dma_start3A_76 : memref<56x1024xf32, #tpu.memory_space<hbm>>) target_semaphore(%arg8 : memref<!tpu.dma_semaphore, #tpu.memory_space<semaphore_mem>>)
    %add3A_80 = arith.constant 0 : i32
    %add3A_81 = arith.addi %mul3A_2, %add3A_80 : i32
    %dma_start3A_82 = arith.constant 3 : i32
    %dma_start3A_83 = arith.constant 0 : i32
    %dma_start3A_84 = arith.constant 0 : i32
    %dma_start3A_85 = tpu.memref_slice %arg4[%dma_start3A_83, %dma_start3A_84] : memref<56x1024xf32, #tpu.memory_space<vmem>> -> memref<56x1024xf32, #tpu.memory_space<vmem>>
    %dma_start3A_86 = arith.constant 0 : i32
    %dma_start3A_87 = tpu.memref_slice %arg3[%dma_start3A_82, %add3A_81, %dma_start3A_86] : memref<4x8192x1024xf32, #tpu.memory_space<hbm>> -> memref<1x56x1024xf32, #tpu.memory_space<hbm>>
    %dma_start3A_88 = tpu.memref_squeeze %dma_start3A_87 : memref<1x56x1024xf32, #tpu.memory_space<hbm>> -> memref<56x1024xf32, #tpu.memory_space<hbm>>
    %dma_start3A_89 = arith.constant 0 : i32
    %dma_start3A_90 = tpu.memref_slice %arg3[%dma_start3A_82, %add3A_81, %dma_start3A_89] : memref<4x8192x1024xf32, #tpu.memory_space<hbm>> -> memref<1x56x1024xf32, #tpu.memory_space<hbm>>
    %dma_start3A_91 = tpu.memref_squeeze %dma_start3A_90 : memref<1x56x1024xf32, #tpu.memory_space<hbm>> -> memref<56x1024xf32, #tpu.memory_space<hbm>>
    %dma_start3A_92 = arith.constant 0 : i32
    %dma_start3A_93 = arith.constant 0 : i32
    %dma_start3A_94 = tpu.memref_slice %arg4[%dma_start3A_92, %dma_start3A_93] : memref<56x1024xf32, #tpu.memory_space<vmem>> -> memref<56x1024xf32, #tpu.memory_space<vmem>>
    tpu.enqueue_dma source(%dma_start3A_94 : memref<56x1024xf32, #tpu.memory_space<vmem>>) target(%dma_start3A_91 : memref<56x1024xf32, #tpu.memory_space<hbm>>) target_semaphore(%arg8 : memref<!tpu.dma_semaphore, #tpu.memory_space<semaphore_mem>>)
    %dma_wait3A_95 = arith.constant 0 : i32
    %dma_wait3A_96 = arith.constant 0 : i32
    %dma_wait3A_97 = arith.constant 0 : i32
    %dma_wait3A_98 = tpu.memref_slice %arg4[%dma_wait3A_96, %dma_wait3A_97] : memref<56x1024xf32, #tpu.memory_space<vmem>> -> memref<56x1024xf32, #tpu.memory_space<vmem>>
    %dma_wait3A_99 = arith.constant 0 : i32
    %dma_wait3A_100 = tpu.memref_slice %arg3[%dma_wait3A_95, %add3A_36, %dma_wait3A_99] : memref<4x8192x1024xf32, #tpu.memory_space<hbm>> -> memref<1x56x1024xf32, #tpu.memory_space<hbm>>
    %dma_wait3A_101 = tpu.memref_squeeze %dma_wait3A_100 : memref<1x56x1024xf32, #tpu.memory_space<hbm>> -> memref<56x1024xf32, #tpu.memory_space<hbm>>
    %dma_wait3A_102 = arith.constant 0 : i32
    %dma_wait3A_103 = tpu.memref_slice %arg3[%dma_wait3A_95, %add3A_36, %dma_wait3A_102] : memref<4x8192x1024xf32, #tpu.memory_space<hbm>> -> memref<1x56x1024xf32, #tpu.memory_space<hbm>>
    %dma_wait3A_104 = tpu.memref_squeeze %dma_wait3A_103 : memref<1x56x1024xf32, #tpu.memory_space<hbm>> -> memref<56x1024xf32, #tpu.memory_space<hbm>>
    %dma_wait3A_105 = arith.constant 0 : i32
    %dma_wait3A_106 = arith.constant 0 : i32
    %dma_wait3A_107 = tpu.memref_slice %arg4[%dma_wait3A_105, %dma_wait3A_106] : memref<56x1024xf32, #tpu.memory_space<vmem>> -> memref<56x1024xf32, #tpu.memory_space<vmem>>
    tpu.wait_dma2 semaphore(%arg8 : memref<!tpu.dma_semaphore, #tpu.memory_space<semaphore_mem>>) src(%dma_wait3A_107 : memref<56x1024xf32, #tpu.memory_space<vmem>>) dst(%dma_wait3A_104 : memref<56x1024xf32, #tpu.memory_space<hbm>>)
    %dma_wait3A_108 = arith.constant 1 : i32
    %dma_wait3A_109 = arith.constant 0 : i32
    %dma_wait3A_110 = arith.constant 0 : i32
    %dma_wait3A_111 = tpu.memref_slice %arg4[%dma_wait3A_109, %dma_wait3A_110] : memref<56x1024xf32, #tpu.memory_space<vmem>> -> memref<56x1024xf32, #tpu.memory_space<vmem>>
    %dma_wait3A_112 = arith.constant 0 : i32
    %dma_wait3A_113 = tpu.memref_slice %arg3[%dma_wait3A_108, %add3A_51, %dma_wait3A_112] : memref<4x8192x1024xf32, #tpu.memory_space<hbm>> -> memref<1x56x1024xf32, #tpu.memory_space<hbm>>
    %dma_wait3A_114 = tpu.memref_squeeze %dma_wait3A_113 : memref<1x56x1024xf32, #tpu.memory_space<hbm>> -> memref<56x1024xf32, #tpu.memory_space<hbm>>
    %dma_wait3A_115 = arith.constant 0 : i32
    %dma_wait3A_116 = tpu.memref_slice %arg3[%dma_wait3A_108, %add3A_51, %dma_wait3A_115] : memref<4x8192x1024xf32, #tpu.memory_space<hbm>> -> memref<1x56x1024xf32, #tpu.memory_space<hbm>>
    %dma_wait3A_117 = tpu.memref_squeeze %dma_wait3A_116 : memref<1x56x1024xf32, #tpu.memory_space<hbm>> -> memref<56x1024xf32, #tpu.memory_space<hbm>>
    %dma_wait3A_118 = arith.constant 0 : i32
    %dma_wait3A_119 = arith.constant 0 : i32
    %dma_wait3A_120 = tpu.memref_slice %arg4[%dma_wait3A_118, %dma_wait3A_119] : memref<56x1024xf32, #tpu.memory_space<vmem>> -> memref<56x1024xf32, #tpu.memory_space<vmem>>
    tpu.wait_dma2 semaphore(%arg8 : memref<!tpu.dma_semaphore, #tpu.memory_space<semaphore_mem>>) src(%dma_wait3A_120 : memref<56x1024xf32, #tpu.memory_space<vmem>>) dst(%dma_wait3A_117 : memref<56x1024xf32, #tpu.memory_space<hbm>>)
    %dma_wait3A_121 = arith.constant 2 : i32
    %dma_wait3A_122 = arith.constant 0 : i32
    %dma_wait3A_123 = arith.constant 0 : i32
    %dma_wait3A_124 = tpu.memref_slice %arg4[%dma_wait3A_122, %dma_wait3A_123] : memref<56x1024xf32, #tpu.memory_space<vmem>> -> memref<56x1024xf32, #tpu.memory_space<vmem>>
    %dma_wait3A_125 = arith.constant 0 : i32
    %dma_wait3A_126 = tpu.memref_slice %arg3[%dma_wait3A_121, %add3A_66, %dma_wait3A_125] : memref<4x8192x1024xf32, #tpu.memory_space<hbm>> -> memref<1x56x1024xf32, #tpu.memory_space<hbm>>
    %dma_wait3A_127 = tpu.memref_squeeze %dma_wait3A_126 : memref<1x56x1024xf32, #tpu.memory_space<hbm>> -> memref<56x1024xf32, #tpu.memory_space<hbm>>
    %dma_wait3A_128 = arith.constant 0 : i32
    %dma_wait3A_129 = tpu.memref_slice %arg3[%dma_wait3A_121, %add3A_66, %dma_wait3A_128] : memref<4x8192x1024xf32, #tpu.memory_space<hbm>> -> memref<1x56x1024xf32, #tpu.memory_space<hbm>>
    %dma_wait3A_130 = tpu.memref_squeeze %dma_wait3A_129 : memref<1x56x1024xf32, #tpu.memory_space<hbm>> -> memref<56x1024xf32, #tpu.memory_space<hbm>>
    %dma_wait3A_131 = arith.constant 0 : i32
    %dma_wait3A_132 = arith.constant 0 : i32
    %dma_wait3A_133 = tpu.memref_slice %arg4[%dma_wait3A_131, %dma_wait3A_132] : memref<56x1024xf32, #tpu.memory_space<vmem>> -> memref<56x1024xf32, #tpu.memory_space<vmem>>
    tpu.wait_dma2 semaphore(%arg8 : memref<!tpu.dma_semaphore, #tpu.memory_space<semaphore_mem>>) src(%dma_wait3A_133 : memref<56x1024xf32, #tpu.memory_space<vmem>>) dst(%dma_wait3A_130 : memref<56x1024xf32, #tpu.memory_space<hbm>>)
    %dma_wait3A_134 = arith.constant 3 : i32
    %dma_wait3A_135 = arith.constant 0 : i32
    %dma_wait3A_136 = arith.constant 0 : i32
    %dma_wait3A_137 = tpu.memref_slice %arg4[%dma_wait3A_135, %dma_wait3A_136] : memref<56x1024xf32, #tpu.memory_space<vmem>> -> memref<56x1024xf32, #tpu.memory_space<vmem>>
    %dma_wait3A_138 = arith.constant 0 : i32
    %dma_wait3A_139 = tpu.memref_slice %arg3[%dma_wait3A_134, %add3A_81, %dma_wait3A_138] : memref<4x8192x1024xf32, #tpu.memory_space<hbm>> -> memref<1x56x1024xf32, #tpu.memory_space<hbm>>
    %dma_wait3A_140 = tpu.memref_squeeze %dma_wait3A_139 : memref<1x56x1024xf32, #tpu.memory_space<hbm>> -> memref<56x1024xf32, #tpu.memory_space<hbm>>
    %dma_wait3A_141 = arith.constant 0 : i32
    %dma_wait3A_142 = tpu.memref_slice %arg3[%dma_wait3A_134, %add3A_81, %dma_wait3A_141] : memref<4x8192x1024xf32, #tpu.memory_space<hbm>> -> memref<1x56x1024xf32, #tpu.memory_space<hbm>>
    %dma_wait3A_143 = tpu.memref_squeeze %dma_wait3A_142 : memref<1x56x1024xf32, #tpu.memory_space<hbm>> -> memref<56x1024xf32, #tpu.memory_space<hbm>>
    %dma_wait3A_144 = arith.constant 0 : i32
    %dma_wait3A_145 = arith.constant 0 : i32
    %dma_wait3A_146 = tpu.memref_slice %arg4[%dma_wait3A_144, %dma_wait3A_145] : memref<56x1024xf32, #tpu.memory_space<vmem>> -> memref<56x1024xf32, #tpu.memory_space<vmem>>
    tpu.wait_dma2 semaphore(%arg8 : memref<!tpu.dma_semaphore, #tpu.memory_space<semaphore_mem>>) src(%dma_wait3A_146 : memref<56x1024xf32, #tpu.memory_space<vmem>>) dst(%dma_wait3A_143 : memref<56x1024xf32, #tpu.memory_space<hbm>>)
    %add3A_147 = arith.constant 112 : i32
    %add3A_148 = arith.addi %mul3A_2, %add3A_147 : i32
    %dma_start3A_149 = arith.constant 0 : i32
    %dma_start3A_150 = arith.constant 0 : i32
    %dma_start3A_151 = tpu.memref_slice %arg4[%dma_start3A_149, %dma_start3A_150] : memref<56x1024xf32, #tpu.memory_space<vmem>> -> memref<56x1024xf32, #tpu.memory_space<vmem>>
    %dma_start3A_152 = arith.constant 0 : i32
    %dma_start3A_153 = tpu.memref_slice %arg2[%add3A_148, %dma_start3A_152] : memref<8192x1024xf32, #tpu.memory_space<hbm>> -> memref<56x1024xf32, #tpu.memory_space<hbm>>
    %dma_start3A_154 = arith.constant 0 : i32
    %dma_start3A_155 = arith.constant 0 : i32
    %dma_start3A_156 = tpu.memref_slice %arg4[%dma_start3A_154, %dma_start3A_155] : memref<56x1024xf32, #tpu.memory_space<vmem>> -> memref<56x1024xf32, #tpu.memory_space<vmem>>
    %dma_start3A_157 = arith.constant 0 : i32
    %dma_start3A_158 = tpu.memref_slice %arg2[%add3A_148, %dma_start3A_157] : memref<8192x1024xf32, #tpu.memory_space<hbm>> -> memref<56x1024xf32, #tpu.memory_space<hbm>>
    tpu.enqueue_dma source(%dma_start3A_158 : memref<56x1024xf32, #tpu.memory_space<hbm>>) target(%dma_start3A_156 : memref<56x1024xf32, #tpu.memory_space<vmem>>) target_semaphore(%arg6 : memref<!tpu.dma_semaphore, #tpu.memory_space<semaphore_mem>>)
    %dma_wait3A_159 = arith.constant 0 : i32
    %dma_wait3A_160 = arith.constant 0 : i32
    %dma_wait3A_161 = tpu.memref_slice %arg5[%dma_wait3A_159, %dma_wait3A_160] : memref<56x1024xf32, #tpu.memory_space<vmem>> -> memref<56x1024xf32, #tpu.memory_space<vmem>>
    %dma_wait3A_162 = arith.constant 0 : i32
    %dma_wait3A_163 = tpu.memref_slice %arg2[%add3A_15, %dma_wait3A_162] : memref<8192x1024xf32, #tpu.memory_space<hbm>> -> memref<56x1024xf32, #tpu.memory_space<hbm>>
    %dma_wait3A_164 = arith.constant 0 : i32
    %dma_wait3A_165 = arith.constant 0 : i32
    %dma_wait3A_166 = tpu.memref_slice %arg5[%dma_wait3A_164, %dma_wait3A_165] : memref<56x1024xf32, #tpu.memory_space<vmem>> -> memref<56x1024xf32, #tpu.memory_space<vmem>>
    %dma_wait3A_167 = arith.constant 0 : i32
    %dma_wait3A_168 = tpu.memref_slice %arg2[%add3A_15, %dma_wait3A_167] : memref<8192x1024xf32, #tpu.memory_space<hbm>> -> memref<56x1024xf32, #tpu.memory_space<hbm>>
    tpu.wait_dma2 semaphore(%arg7 : memref<!tpu.dma_semaphore, #tpu.memory_space<semaphore_mem>>) src(%dma_wait3A_168 : memref<56x1024xf32, #tpu.memory_space<hbm>>) dst(%dma_wait3A_166 : memref<56x1024xf32, #tpu.memory_space<vmem>>)
    %add3A_169 = arith.constant 56 : i32
    %add3A_170 = arith.addi %mul3A_2, %add3A_169 : i32
    %dma_start3A_171 = arith.constant 0 : i32
    %dma_start3A_172 = arith.constant 0 : i32
    %dma_start3A_173 = arith.constant 0 : i32
    %dma_start3A_174 = tpu.memref_slice %arg5[%dma_start3A_172, %dma_start3A_173] : memref<56x1024xf32, #tpu.memory_space<vmem>> -> memref<56x1024xf32, #tpu.memory_space<vmem>>
    %dma_start3A_175 = arith.constant 0 : i32
    %dma_start3A_176 = tpu.memref_slice %arg3[%dma_start3A_171, %add3A_170, %dma_start3A_175] : memref<4x8192x1024xf32, #tpu.memory_space<hbm>> -> memref<1x56x1024xf32, #tpu.memory_space<hbm>>
    %dma_start3A_177 = tpu.memref_squeeze %dma_start3A_176 : memref<1x56x1024xf32, #tpu.memory_space<hbm>> -> memref<56x1024xf32, #tpu.memory_space<hbm>>
    %dma_start3A_178 = arith.constant 0 : i32
    %dma_start3A_179 = tpu.memref_slice %arg3[%dma_start3A_171, %add3A_170, %dma_start3A_178] : memref<4x8192x1024xf32, #tpu.memory_space<hbm>> -> memref<1x56x1024xf32, #tpu.memory_space<hbm>>
    %dma_start3A_180 = tpu.memref_squeeze %dma_start3A_179 : memref<1x56x1024xf32, #tpu.memory_space<hbm>> -> memref<56x1024xf32, #tpu.memory_space<hbm>>
    %dma_start3A_181 = arith.constant 0 : i32
    %dma_start3A_182 = arith.constant 0 : i32
    %dma_start3A_183 = tpu.memref_slice %arg5[%dma_start3A_181, %dma_start3A_182] : memref<56x1024xf32, #tpu.memory_space<vmem>> -> memref<56x1024xf32, #tpu.memory_space<vmem>>
    tpu.enqueue_dma source(%dma_start3A_183 : memref<56x1024xf32, #tpu.memory_space<vmem>>) target(%dma_start3A_180 : memref<56x1024xf32, #tpu.memory_space<hbm>>) target_semaphore(%arg9 : memref<!tpu.dma_semaphore, #tpu.memory_space<semaphore_mem>>)
    %add3A_184 = arith.constant 56 : i32
    %add3A_185 = arith.addi %mul3A_2, %add3A_184 : i32
    %dma_start3A_186 = arith.constant 1 : i32
    %dma_start3A_187 = arith.constant 0 : i32
    %dma_start3A_188 = arith.constant 0 : i32
    %dma_start3A_189 = tpu.memref_slice %arg5[%dma_start3A_187, %dma_start3A_188] : memref<56x1024xf32, #tpu.memory_space<vmem>> -> memref<56x1024xf32, #tpu.memory_space<vmem>>
    %dma_start3A_190 = arith.constant 0 : i32
    %dma_start3A_191 = tpu.memref_slice %arg3[%dma_start3A_186, %add3A_185, %dma_start3A_190] : memref<4x8192x1024xf32, #tpu.memory_space<hbm>> -> memref<1x56x1024xf32, #tpu.memory_space<hbm>>
    %dma_start3A_192 = tpu.memref_squeeze %dma_start3A_191 : memref<1x56x1024xf32, #tpu.memory_space<hbm>> -> memref<56x1024xf32, #tpu.memory_space<hbm>>
    %dma_start3A_193 = arith.constant 0 : i32
    %dma_start3A_194 = tpu.memref_slice %arg3[%dma_start3A_186, %add3A_185, %dma_start3A_193] : memref<4x8192x1024xf32, #tpu.memory_space<hbm>> -> memref<1x56x1024xf32, #tpu.memory_space<hbm>>
    %dma_start3A_195 = tpu.memref_squeeze %dma_start3A_194 : memref<1x56x1024xf32, #tpu.memory_space<hbm>> -> memref<56x1024xf32, #tpu.memory_space<hbm>>
    %dma_start3A_196 = arith.constant 0 : i32
    %dma_start3A_197 = arith.constant 0 : i32
    %dma_start3A_198 = tpu.memref_slice %arg5[%dma_start3A_196, %dma_start3A_197] : memref<56x1024xf32, #tpu.memory_space<vmem>> -> memref<56x1024xf32, #tpu.memory_space<vmem>>
    tpu.enqueue_dma source(%dma_start3A_198 : memref<56x1024xf32, #tpu.memory_space<vmem>>) target(%dma_start3A_195 : memref<56x1024xf32, #tpu.memory_space<hbm>>) target_semaphore(%arg9 : memref<!tpu.dma_semaphore, #tpu.memory_space<semaphore_mem>>)
    %add3A_199 = arith.constant 56 : i32
    %add3A_200 = arith.addi %mul3A_2, %add3A_199 : i32
    %dma_start3A_201 = arith.constant 2 : i32
    %dma_start3A_202 = arith.constant 0 : i32
    %dma_start3A_203 = arith.constant 0 : i32
    %dma_start3A_204 = tpu.memref_slice %arg5[%dma_start3A_202, %dma_start3A_203] : memref<56x1024xf32, #tpu.memory_space<vmem>> -> memref<56x1024xf32, #tpu.memory_space<vmem>>
    %dma_start3A_205 = arith.constant 0 : i32
    %dma_start3A_206 = tpu.memref_slice %arg3[%dma_start3A_201, %add3A_200, %dma_start3A_205] : memref<4x8192x1024xf32, #tpu.memory_space<hbm>> -> memref<1x56x1024xf32, #tpu.memory_space<hbm>>
    %dma_start3A_207 = tpu.memref_squeeze %dma_start3A_206 : memref<1x56x1024xf32, #tpu.memory_space<hbm>> -> memref<56x1024xf32, #tpu.memory_space<hbm>>
    %dma_start3A_208 = arith.constant 0 : i32
    %dma_start3A_209 = tpu.memref_slice %arg3[%dma_start3A_201, %add3A_200, %dma_start3A_208] : memref<4x8192x1024xf32, #tpu.memory_space<hbm>> -> memref<1x56x1024xf32, #tpu.memory_space<hbm>>
    %dma_start3A_210 = tpu.memref_squeeze %dma_start3A_209 : memref<1x56x1024xf32, #tpu.memory_space<hbm>> -> memref<56x1024xf32, #tpu.memory_space<hbm>>
    %dma_start3A_211 = arith.constant 0 : i32
    %dma_start3A_212 = arith.constant 0 : i32
    %dma_start3A_213 = tpu.memref_slice %arg5[%dma_start3A_211, %dma_start3A_212] : memref<56x1024xf32, #tpu.memory_space<vmem>> -> memref<56x1024xf32, #tpu.memory_space<vmem>>
    tpu.enqueue_dma source(%dma_start3A_213 : memref<56x1024xf32, #tpu.memory_space<vmem>>) target(%dma_start3A_210 : memref<56x1024xf32, #tpu.memory_space<hbm>>) target_semaphore(%arg9 : memref<!tpu.dma_semaphore, #tpu.memory_space<semaphore_mem>>)
    %add3A_214 = arith.constant 56 : i32
    %add3A_215 = arith.addi %mul3A_2, %add3A_214 : i32
    %dma_start3A_216 = arith.constant 3 : i32
    %dma_start3A_217 = arith.constant 0 : i32
    %dma_start3A_218 = arith.constant 0 : i32
    %dma_start3A_219 = tpu.memref_slice %arg5[%dma_start3A_217, %dma_start3A_218] : memref<56x1024xf32, #tpu.memory_space<vmem>> -> memref<56x1024xf32, #tpu.memory_space<vmem>>
    %dma_start3A_220 = arith.constant 0 : i32
    %dma_start3A_221 = tpu.memref_slice %arg3[%dma_start3A_216, %add3A_215, %dma_start3A_220] : memref<4x8192x1024xf32, #tpu.memory_space<hbm>> -> memref<1x56x1024xf32, #tpu.memory_space<hbm>>
    %dma_start3A_222 = tpu.memref_squeeze %dma_start3A_221 : memref<1x56x1024xf32, #tpu.memory_space<hbm>> -> memref<56x1024xf32, #tpu.memory_space<hbm>>
    %dma_start3A_223 = arith.constant 0 : i32
    %dma_start3A_224 = tpu.memref_slice %arg3[%dma_start3A_216, %add3A_215, %dma_start3A_223] : memref<4x8192x1024xf32, #tpu.memory_space<hbm>> -> memref<1x56x1024xf32, #tpu.memory_space<hbm>>
    %dma_start3A_225 = tpu.memref_squeeze %dma_start3A_224 : memref<1x56x1024xf32, #tpu.memory_space<hbm>> -> memref<56x1024xf32, #tpu.memory_space<hbm>>
    %dma_start3A_226 = arith.constant 0 : i32
    %dma_start3A_227 = arith.constant 0 : i32
    %dma_start3A_228 = tpu.memref_slice %arg5[%dma_start3A_226, %dma_start3A_227] : memref<56x1024xf32, #tpu.memory_space<vmem>> -> memref<56x1024xf32, #tpu.memory_space<vmem>>
    tpu.enqueue_dma source(%dma_start3A_228 : memref<56x1024xf32, #tpu.memory_space<vmem>>) target(%dma_start3A_225 : memref<56x1024xf32, #tpu.memory_space<hbm>>) target_semaphore(%arg9 : memref<!tpu.dma_semaphore, #tpu.memory_space<semaphore_mem>>)
    %dma_wait3A_229 = arith.constant 0 : i32
    %dma_wait3A_230 = arith.constant 0 : i32
    %dma_wait3A_231 = arith.constant 0 : i32
    %dma_wait3A_232 = tpu.memref_slice %arg5[%dma_wait3A_230, %dma_wait3A_231] : memref<56x1024xf32, #tpu.memory_space<vmem>> -> memref<56x1024xf32, #tpu.memory_space<vmem>>
    %dma_wait3A_233 = arith.constant 0 : i32
    %dma_wait3A_234 = tpu.memref_slice %arg3[%dma_wait3A_229, %add3A_170, %dma_wait3A_233] : memref<4x8192x1024xf32, #tpu.memory_space<hbm>> -> memref<1x56x1024xf32, #tpu.memory_space<hbm>>
    %dma_wait3A_235 = tpu.memref_squeeze %dma_wait3A_234 : memref<1x56x1024xf32, #tpu.memory_space<hbm>> -> memref<56x1024xf32, #tpu.memory_space<hbm>>
    %dma_wait3A_236 = arith.constant 0 : i32
    %dma_wait3A_237 = tpu.memref_slice %arg3[%dma_wait3A_229, %add3A_170, %dma_wait3A_236] : memref<4x8192x1024xf32, #tpu.memory_space<hbm>> -> memref<1x56x1024xf32, #tpu.memory_space<hbm>>
    %dma_wait3A_238 = tpu.memref_squeeze %dma_wait3A_237 : memref<1x56x1024xf32, #tpu.memory_space<hbm>> -> memref<56x1024xf32, #tpu.memory_space<hbm>>
    %dma_wait3A_239 = arith.constant 0 : i32
    %dma_wait3A_240 = arith.constant 0 : i32
    %dma_wait3A_241 = tpu.memref_slice %arg5[%dma_wait3A_239, %dma_wait3A_240] : memref<56x1024xf32, #tpu.memory_space<vmem>> -> memref<56x1024xf32, #tpu.memory_space<vmem>>
    tpu.wait_dma2 semaphore(%arg9 : memref<!tpu.dma_semaphore, #tpu.memory_space<semaphore_mem>>) src(%dma_wait3A_241 : memref<56x1024xf32, #tpu.memory_space<vmem>>) dst(%dma_wait3A_238 : memref<56x1024xf32, #tpu.memory_space<hbm>>)
    %dma_wait3A_242 = arith.constant 1 : i32
    %dma_wait3A_243 = arith.constant 0 : i32
    %dma_wait3A_244 = arith.constant 0 : i32
    %dma_wait3A_245 = tpu.memref_slice %arg5[%dma_wait3A_243, %dma_wait3A_244] : memref<56x1024xf32, #tpu.memory_space<vmem>> -> memref<56x1024xf32, #tpu.memory_space<vmem>>
    %dma_wait3A_246 = arith.constant 0 : i32
    %dma_wait3A_247 = tpu.memref_slice %arg3[%dma_wait3A_242, %add3A_185, %dma_wait3A_246] : memref<4x8192x1024xf32, #tpu.memory_space<hbm>> -> memref<1x56x1024xf32, #tpu.memory_space<hbm>>
    %dma_wait3A_248 = tpu.memref_squeeze %dma_wait3A_247 : memref<1x56x1024xf32, #tpu.memory_space<hbm>> -> memref<56x1024xf32, #tpu.memory_space<hbm>>
    %dma_wait3A_249 = arith.constant 0 : i32
    %dma_wait3A_250 = tpu.memref_slice %arg3[%dma_wait3A_242, %add3A_185, %dma_wait3A_249] : memref<4x8192x1024xf32, #tpu.memory_space<hbm>> -> memref<1x56x1024xf32, #tpu.memory_space<hbm>>
    %dma_wait3A_251 = tpu.memref_squeeze %dma_wait3A_250 : memref<1x56x1024xf32, #tpu.memory_space<hbm>> -> memref<56x1024xf32, #tpu.memory_space<hbm>>
    %dma_wait3A_252 = arith.constant 0 : i32
    %dma_wait3A_253 = arith.constant 0 : i32
    %dma_wait3A_254 = tpu.memref_slice %arg5[%dma_wait3A_252, %dma_wait3A_253] : memref<56x1024xf32, #tpu.memory_space<vmem>> -> memref<56x1024xf32, #tpu.memory_space<vmem>>
    tpu.wait_dma2 semaphore(%arg9 : memref<!tpu.dma_semaphore, #tpu.memory_space<semaphore_mem>>) src(%dma_wait3A_254 : memref<56x1024xf32, #tpu.memory_space<vmem>>) dst(%dma_wait3A_251 : memref<56x1024xf32, #tpu.memory_space<hbm>>)
    %dma_wait3A_255 = arith.constant 2 : i32
    %dma_wait3A_256 = arith.constant 0 : i32
    %dma_wait3A_257 = arith.constant 0 : i32
    %dma_wait3A_258 = tpu.memref_slice %arg5[%dma_wait3A_256, %dma_wait3A_257] : memref<56x1024xf32, #tpu.memory_space<vmem>> -> memref<56x1024xf32, #tpu.memory_space<vmem>>
    %dma_wait3A_259 = arith.constant 0 : i32
    %dma_wait3A_260 = tpu.memref_slice %arg3[%dma_wait3A_255, %add3A_200, %dma_wait3A_259] : memref<4x8192x1024xf32, #tpu.memory_space<hbm>> -> memref<1x56x1024xf32, #tpu.memory_space<hbm>>
    %dma_wait3A_261 = tpu.memref_squeeze %dma_wait3A_260 : memref<1x56x1024xf32, #tpu.memory_space<hbm>> -> memref<56x1024xf32, #tpu.memory_space<hbm>>
    %dma_wait3A_262 = arith.constant 0 : i32
    %dma_wait3A_263 = tpu.memref_slice %arg3[%dma_wait3A_255, %add3A_200, %dma_wait3A_262] : memref<4x8192x1024xf32, #tpu.memory_space<hbm>> -> memref<1x56x1024xf32, #tpu.memory_space<hbm>>
    %dma_wait3A_264 = tpu.memref_squeeze %dma_wait3A_263 : memref<1x56x1024xf32, #tpu.memory_space<hbm>> -> memref<56x1024xf32, #tpu.memory_space<hbm>>
    %dma_wait3A_265 = arith.constant 0 : i32
    %dma_wait3A_266 = arith.constant 0 : i32
    %dma_wait3A_267 = tpu.memref_slice %arg5[%dma_wait3A_265, %dma_wait3A_266] : memref<56x1024xf32, #tpu.memory_space<vmem>> -> memref<56x1024xf32, #tpu.memory_space<vmem>>
    tpu.wait_dma2 semaphore(%arg9 : memref<!tpu.dma_semaphore, #tpu.memory_space<semaphore_mem>>) src(%dma_wait3A_267 : memref<56x1024xf32, #tpu.memory_space<vmem>>) dst(%dma_wait3A_264 : memref<56x1024xf32, #tpu.memory_space<hbm>>)
    %dma_wait3A_268 = arith.constant 3 : i32
    %dma_wait3A_269 = arith.constant 0 : i32
    %dma_wait3A_270 = arith.constant 0 : i32
    %dma_wait3A_271 = tpu.memref_slice %arg5[%dma_wait3A_269, %dma_wait3A_270] : memref<56x1024xf32, #tpu.memory_space<vmem>> -> memref<56x1024xf32, #tpu.memory_space<vmem>>
    %dma_wait3A_272 = arith.constant 0 : i32
    %dma_wait3A_273 = tpu.memref_slice %arg3[%dma_wait3A_268, %add3A_215, %dma_wait3A_272] : memref<4x8192x1024xf32, #tpu.memory_space<hbm>> -> memref<1x56x1024xf32, #tpu.memory_space<hbm>>
    %dma_wait3A_274 = tpu.memref_squeeze %dma_wait3A_273 : memref<1x56x1024xf32, #tpu.memory_space<hbm>> -> memref<56x1024xf32, #tpu.memory_space<hbm>>
    %dma_wait3A_275 = arith.constant 0 : i32
    %dma_wait3A_276 = tpu.memref_slice %arg3[%dma_wait3A_268, %add3A_215, %dma_wait3A_275] : memref<4x8192x1024xf32, #tpu.memory_space<hbm>> -> memref<1x56x1024xf32, #tpu.memory_space<hbm>>
    %dma_wait3A_277 = tpu.memref_squeeze %dma_wait3A_276 : memref<1x56x1024xf32, #tpu.memory_space<hbm>> -> memref<56x1024xf32, #tpu.memory_space<hbm>>
    %dma_wait3A_278 = arith.constant 0 : i32
    %dma_wait3A_279 = arith.constant 0 : i32
    %dma_wait3A_280 = tpu.memref_slice %arg5[%dma_wait3A_278, %dma_wait3A_279] : memref<56x1024xf32, #tpu.memory_space<vmem>> -> memref<56x1024xf32, #tpu.memory_space<vmem>>
    tpu.wait_dma2 semaphore(%arg9 : memref<!tpu.dma_semaphore, #tpu.memory_space<semaphore_mem>>) src(%dma_wait3A_280 : memref<56x1024xf32, #tpu.memory_space<vmem>>) dst(%dma_wait3A_277 : memref<56x1024xf32, #tpu.memory_space<hbm>>)
    %add3A_281 = arith.constant 168 : i32
    %add3A_282 = arith.addi %mul3A_2, %add3A_281 : i32
    %dma_start3A_283 = arith.constant 0 : i32
    %dma_start3A_284 = arith.constant 0 : i32
    %dma_start3A_285 = tpu.memref_slice %arg5[%dma_start3A_283, %dma_start3A_284] : memref<56x1024xf32, #tpu.memory_space<vmem>> -> memref<56x1024xf32, #tpu.memory_space<vmem>>
    %dma_start3A_286 = arith.constant 0 : i32
    %dma_start3A_287 = tpu.memref_slice %arg2[%add3A_282, %dma_start3A_286] : memref<8192x1024xf32, #tpu.memory_space<hbm>> -> memref<56x1024xf32, #tpu.memory_space<hbm>>
    %dma_start3A_288 = arith.constant 0 : i32
    %dma_start3A_289 = arith.constant 0 : i32
    %dma_start3A_290 = tpu.memref_slice %arg5[%dma_start3A_288, %dma_start3A_289] : memref<56x1024xf32, #tpu.memory_space<vmem>> -> memref<56x1024xf32, #tpu.memory_space<vmem>>
    %dma_start3A_291 = arith.constant 0 : i32
    %dma_start3A_292 = tpu.memref_slice %arg2[%add3A_282, %dma_start3A_291] : memref<8192x1024xf32, #tpu.memory_space<hbm>> -> memref<56x1024xf32, #tpu.memory_space<hbm>>
    tpu.enqueue_dma source(%dma_start3A_292 : memref<56x1024xf32, #tpu.memory_space<hbm>>) target(%dma_start3A_290 : memref<56x1024xf32, #tpu.memory_space<vmem>>) target_semaphore(%arg7 : memref<!tpu.dma_semaphore, #tpu.memory_space<semaphore_mem>>)
    %dma_wait3A_293 = arith.constant 0 : i32
    %dma_wait3A_294 = arith.constant 0 : i32
    %dma_wait3A_295 = tpu.memref_slice %arg4[%dma_wait3A_293, %dma_wait3A_294] : memref<56x1024xf32, #tpu.memory_space<vmem>> -> memref<56x1024xf32, #tpu.memory_space<vmem>>
    %dma_wait3A_296 = arith.constant 0 : i32
    %dma_wait3A_297 = tpu.memref_slice %arg2[%add3A_148, %dma_wait3A_296] : memref<8192x1024xf32, #tpu.memory_space<hbm>> -> memref<56x1024xf32, #tpu.memory_space<hbm>>
    %dma_wait3A_298 = arith.constant 0 : i32
    %dma_wait3A_299 = arith.constant 0 : i32
    %dma_wait3A_300 = tpu.memref_slice %arg4[%dma_wait3A_298, %dma_wait3A_299] : memref<56x1024xf32, #tpu.memory_space<vmem>> -> memref<56x1024xf32, #tpu.memory_space<vmem>>
    %dma_wait3A_301 = arith.constant 0 : i32
    %dma_wait3A_302 = tpu.memref_slice %arg2[%add3A_148, %dma_wait3A_301] : memref<8192x1024xf32, #tpu.memory_space<hbm>> -> memref<56x1024xf32, #tpu.memory_space<hbm>>
    tpu.wait_dma2 semaphore(%arg6 : memref<!tpu.dma_semaphore, #tpu.memory_space<semaphore_mem>>) src(%dma_wait3A_302 : memref<56x1024xf32, #tpu.memory_space<hbm>>) dst(%dma_wait3A_300 : memref<56x1024xf32, #tpu.memory_space<vmem>>)
    %add3A_303 = arith.constant 112 : i32
    %add3A_304 = arith.addi %mul3A_2, %add3A_303 : i32
    %dma_start3A_305 = arith.constant 0 : i32
    %dma_start3A_306 = arith.constant 0 : i32
    %dma_start3A_307 = arith.constant 0 : i32
    %dma_start3A_308 = tpu.memref_slice %arg4[%dma_start3A_306, %dma_start3A_307] : memref<56x1024xf32, #tpu.memory_space<vmem>> -> memref<56x1024xf32, #tpu.memory_space<vmem>>
    %dma_start3A_309 = arith.constant 0 : i32
    %dma_start3A_310 = tpu.memref_slice %arg3[%dma_start3A_305, %add3A_304, %dma_start3A_309] : memref<4x8192x1024xf32, #tpu.memory_space<hbm>> -> memref<1x56x1024xf32, #tpu.memory_space<hbm>>
    %dma_start3A_311 = tpu.memref_squeeze %dma_start3A_310 : memref<1x56x1024xf32, #tpu.memory_space<hbm>> -> memref<56x1024xf32, #tpu.memory_space<hbm>>
    %dma_start3A_312 = arith.constant 0 : i32
    %dma_start3A_313 = tpu.memref_slice %arg3[%dma_start3A_305, %add3A_304, %dma_start3A_312] : memref<4x8192x1024xf32, #tpu.memory_space<hbm>> -> memref<1x56x1024xf32, #tpu.memory_space<hbm>>
    %dma_start3A_314 = tpu.memref_squeeze %dma_start3A_313 : memref<1x56x1024xf32, #tpu.memory_space<hbm>> -> memref<56x1024xf32, #tpu.memory_space<hbm>>
    %dma_start3A_315 = arith.constant 0 : i32
    %dma_start3A_316 = arith.constant 0 : i32
    %dma_start3A_317 = tpu.memref_slice %arg4[%dma_start3A_315, %dma_start3A_316] : memref<56x1024xf32, #tpu.memory_space<vmem>> -> memref<56x1024xf32, #tpu.memory_space<vmem>>
    tpu.enqueue_dma source(%dma_start3A_317 : memref<56x1024xf32, #tpu.memory_space<vmem>>) target(%dma_start3A_314 : memref<56x1024xf32, #tpu.memory_space<hbm>>) target_semaphore(%arg8 : memref<!tpu.dma_semaphore, #tpu.memory_space<semaphore_mem>>)
    %add3A_318 = arith.constant 112 : i32
    %add3A_319 = arith.addi %mul3A_2, %add3A_318 : i32
    %dma_start3A_320 = arith.constant 1 : i32
    %dma_start3A_321 = arith.constant 0 : i32
    %dma_start3A_322 = arith.constant 0 : i32
    %dma_start3A_323 = tpu.memref_slice %arg4[%dma_start3A_321, %dma_start3A_322] : memref<56x1024xf32, #tpu.memory_space<vmem>> -> memref<56x1024xf32, #tpu.memory_space<vmem>>
    %dma_start3A_324 = arith.constant 0 : i32
    %dma_start3A_325 = tpu.memref_slice %arg3[%dma_start3A_320, %add3A_319, %dma_start3A_324] : memref<4x8192x1024xf32, #tpu.memory_space<hbm>> -> memref<1x56x1024xf32, #tpu.memory_space<hbm>>
    %dma_start3A_326 = tpu.memref_squeeze %dma_start3A_325 : memref<1x56x1024xf32, #tpu.memory_space<hbm>> -> memref<56x1024xf32, #tpu.memory_space<hbm>>
    %dma_start3A_327 = arith.constant 0 : i32
    %dma_start3A_328 = tpu.memref_slice %arg3[%dma_start3A_320, %add3A_319, %dma_start3A_327] : memref<4x8192x1024xf32, #tpu.memory_space<hbm>> -> memref<1x56x1024xf32, #tpu.memory_space<hbm>>
    %dma_start3A_329 = tpu.memref_squeeze %dma_start3A_328 : memref<1x56x1024xf32, #tpu.memory_space<hbm>> -> memref<56x1024xf32, #tpu.memory_space<hbm>>
    %dma_start3A_330 = arith.constant 0 : i32
    %dma_start3A_331 = arith.constant 0 : i32
    %dma_start3A_332 = tpu.memref_slice %arg4[%dma_start3A_330, %dma_start3A_331] : memref<56x1024xf32, #tpu.memory_space<vmem>> -> memref<56x1024xf32, #tpu.memory_space<vmem>>
    tpu.enqueue_dma source(%dma_start3A_332 : memref<56x1024xf32, #tpu.memory_space<vmem>>) target(%dma_start3A_329 : memref<56x1024xf32, #tpu.memory_space<hbm>>) target_semaphore(%arg8 : memref<!tpu.dma_semaphore, #tpu.memory_space<semaphore_mem>>)
    %add3A_333 = arith.constant 112 : i32
    %add3A_334 = arith.addi %mul3A_2, %add3A_333 : i32
    %dma_start3A_335 = arith.constant 2 : i32
    %dma_start3A_336 = arith.constant 0 : i32
    %dma_start3A_337 = arith.constant 0 : i32
    %dma_start3A_338 = tpu.memref_slice %arg4[%dma_start3A_336, %dma_start3A_337] : memref<56x1024xf32, #tpu.memory_space<vmem>> -> memref<56x1024xf32, #tpu.memory_space<vmem>>
    %dma_start3A_339 = arith.constant 0 : i32
    %dma_start3A_340 = tpu.memref_slice %arg3[%dma_start3A_335, %add3A_334, %dma_start3A_339] : memref<4x8192x1024xf32, #tpu.memory_space<hbm>> -> memref<1x56x1024xf32, #tpu.memory_space<hbm>>
    %dma_start3A_341 = tpu.memref_squeeze %dma_start3A_340 : memref<1x56x1024xf32, #tpu.memory_space<hbm>> -> memref<56x1024xf32, #tpu.memory_space<hbm>>
    %dma_start3A_342 = arith.constant 0 : i32
    %dma_start3A_343 = tpu.memref_slice %arg3[%dma_start3A_335, %add3A_334, %dma_start3A_342] : memref<4x8192x1024xf32, #tpu.memory_space<hbm>> -> memref<1x56x1024xf32, #tpu.memory_space<hbm>>
    %dma_start3A_344 = tpu.memref_squeeze %dma_start3A_343 : memref<1x56x1024xf32, #tpu.memory_space<hbm>> -> memref<56x1024xf32, #tpu.memory_space<hbm>>
    %dma_start3A_345 = arith.constant 0 : i32
    %dma_start3A_346 = arith.constant 0 : i32
    %dma_start3A_347 = tpu.memref_slice %arg4[%dma_start3A_345, %dma_start3A_346] : memref<56x1024xf32, #tpu.memory_space<vmem>> -> memref<56x1024xf32, #tpu.memory_space<vmem>>
    tpu.enqueue_dma source(%dma_start3A_347 : memref<56x1024xf32, #tpu.memory_space<vmem>>) target(%dma_start3A_344 : memref<56x1024xf32, #tpu.memory_space<hbm>>) target_semaphore(%arg8 : memref<!tpu.dma_semaphore, #tpu.memory_space<semaphore_mem>>)
    %add3A_348 = arith.constant 112 : i32
    %add3A_349 = arith.addi %mul3A_2, %add3A_348 : i32
    %dma_start3A_350 = arith.constant 3 : i32
    %dma_start3A_351 = arith.constant 0 : i32
    %dma_start3A_352 = arith.constant 0 : i32
    %dma_start3A_353 = tpu.memref_slice %arg4[%dma_start3A_351, %dma_start3A_352] : memref<56x1024xf32, #tpu.memory_space<vmem>> -> memref<56x1024xf32, #tpu.memory_space<vmem>>
    %dma_start3A_354 = arith.constant 0 : i32
    %dma_start3A_355 = tpu.memref_slice %arg3[%dma_start3A_350, %add3A_349, %dma_start3A_354] : memref<4x8192x1024xf32, #tpu.memory_space<hbm>> -> memref<1x56x1024xf32, #tpu.memory_space<hbm>>
    %dma_start3A_356 = tpu.memref_squeeze %dma_start3A_355 : memref<1x56x1024xf32, #tpu.memory_space<hbm>> -> memref<56x1024xf32, #tpu.memory_space<hbm>>
    %dma_start3A_357 = arith.constant 0 : i32
    %dma_start3A_358 = tpu.memref_slice %arg3[%dma_start3A_350, %add3A_349, %dma_start3A_357] : memref<4x8192x1024xf32, #tpu.memory_space<hbm>> -> memref<1x56x1024xf32, #tpu.memory_space<hbm>>
    %dma_start3A_359 = tpu.memref_squeeze %dma_start3A_358 : memref<1x56x1024xf32, #tpu.memory_space<hbm>> -> memref<56x1024xf32, #tpu.memory_space<hbm>>
    %dma_start3A_360 = arith.constant 0 : i32
    %dma_start3A_361 = arith.constant 0 : i32
    %dma_start3A_362 = tpu.memref_slice %arg4[%dma_start3A_360, %dma_start3A_361] : memref<56x1024xf32, #tpu.memory_space<vmem>> -> memref<56x1024xf32, #tpu.memory_space<vmem>>
    tpu.enqueue_dma source(%dma_start3A_362 : memref<56x1024xf32, #tpu.memory_space<vmem>>) target(%dma_start3A_359 : memref<56x1024xf32, #tpu.memory_space<hbm>>) target_semaphore(%arg8 : memref<!tpu.dma_semaphore, #tpu.memory_space<semaphore_mem>>)
    %dma_wait3A_363 = arith.constant 0 : i32
    %dma_wait3A_364 = arith.constant 0 : i32
    %dma_wait3A_365 = arith.constant 0 : i32
    %dma_wait3A_366 = tpu.memref_slice %arg4[%dma_wait3A_364, %dma_wait3A_365] : memref<56x1024xf32, #tpu.memory_space<vmem>> -> memref<56x1024xf32, #tpu.memory_space<vmem>>
    %dma_wait3A_367 = arith.constant 0 : i32
    %dma_wait3A_368 = tpu.memref_slice %arg3[%dma_wait3A_363, %add3A_304, %dma_wait3A_367] : memref<4x8192x1024xf32, #tpu.memory_space<hbm>> -> memref<1x56x1024xf32, #tpu.memory_space<hbm>>
    %dma_wait3A_369 = tpu.memref_squeeze %dma_wait3A_368 : memref<1x56x1024xf32, #tpu.memory_space<hbm>> -> memref<56x1024xf32, #tpu.memory_space<hbm>>
    %dma_wait3A_370 = arith.constant 0 : i32
    %dma_wait3A_371 = tpu.memref_slice %arg3[%dma_wait3A_363, %add3A_304, %dma_wait3A_370] : memref<4x8192x1024xf32, #tpu.memory_space<hbm>> -> memref<1x56x1024xf32, #tpu.memory_space<hbm>>
    %dma_wait3A_372 = tpu.memref_squeeze %dma_wait3A_371 : memref<1x56x1024xf32, #tpu.memory_space<hbm>> -> memref<56x1024xf32, #tpu.memory_space<hbm>>
    %dma_wait3A_373 = arith.constant 0 : i32
    %dma_wait3A_374 = arith.constant 0 : i32
    %dma_wait3A_375 = tpu.memref_slice %arg4[%dma_wait3A_373, %dma_wait3A_374] : memref<56x1024xf32, #tpu.memory_space<vmem>> -> memref<56x1024xf32, #tpu.memory_space<vmem>>
    tpu.wait_dma2 semaphore(%arg8 : memref<!tpu.dma_semaphore, #tpu.memory_space<semaphore_mem>>) src(%dma_wait3A_375 : memref<56x1024xf32, #tpu.memory_space<vmem>>) dst(%dma_wait3A_372 : memref<56x1024xf32, #tpu.memory_space<hbm>>)
    %dma_wait3A_376 = arith.constant 1 : i32
    %dma_wait3A_377 = arith.constant 0 : i32
    %dma_wait3A_378 = arith.constant 0 : i32
    %dma_wait3A_379 = tpu.memref_slice %arg4[%dma_wait3A_377, %dma_wait3A_378] : memref<56x1024xf32, #tpu.memory_space<vmem>> -> memref<56x1024xf32, #tpu.memory_space<vmem>>
    %dma_wait3A_380 = arith.constant 0 : i32
    %dma_wait3A_381 = tpu.memref_slice %arg3[%dma_wait3A_376, %add3A_319, %dma_wait3A_380] : memref<4x8192x1024xf32, #tpu.memory_space<hbm>> -> memref<1x56x1024xf32, #tpu.memory_space<hbm>>
    %dma_wait3A_382 = tpu.memref_squeeze %dma_wait3A_381 : memref<1x56x1024xf32, #tpu.memory_space<hbm>> -> memref<56x1024xf32, #tpu.memory_space<hbm>>
    %dma_wait3A_383 = arith.constant 0 : i32
    %dma_wait3A_384 = tpu.memref_slice %arg3[%dma_wait3A_376, %add3A_319, %dma_wait3A_383] : memref<4x8192x1024xf32, #tpu.memory_space<hbm>> -> memref<1x56x1024xf32, #tpu.memory_space<hbm>>
    %dma_wait3A_385 = tpu.memref_squeeze %dma_wait3A_384 : memref<1x56x1024xf32, #tpu.memory_space<hbm>> -> memref<56x1024xf32, #tpu.memory_space<hbm>>
    %dma_wait3A_386 = arith.constant 0 : i32
    %dma_wait3A_387 = arith.constant 0 : i32
    %dma_wait3A_388 = tpu.memref_slice %arg4[%dma_wait3A_386, %dma_wait3A_387] : memref<56x1024xf32, #tpu.memory_space<vmem>> -> memref<56x1024xf32, #tpu.memory_space<vmem>>
    tpu.wait_dma2 semaphore(%arg8 : memref<!tpu.dma_semaphore, #tpu.memory_space<semaphore_mem>>) src(%dma_wait3A_388 : memref<56x1024xf32, #tpu.memory_space<vmem>>) dst(%dma_wait3A_385 : memref<56x1024xf32, #tpu.memory_space<hbm>>)
    %dma_wait3A_389 = arith.constant 2 : i32
    %dma_wait3A_390 = arith.constant 0 : i32
    %dma_wait3A_391 = arith.constant 0 : i32
    %dma_wait3A_392 = tpu.memref_slice %arg4[%dma_wait3A_390, %dma_wait3A_391] : memref<56x1024xf32, #tpu.memory_space<vmem>> -> memref<56x1024xf32, #tpu.memory_space<vmem>>
    %dma_wait3A_393 = arith.constant 0 : i32
    %dma_wait3A_394 = tpu.memref_slice %arg3[%dma_wait3A_389, %add3A_334, %dma_wait3A_393] : memref<4x8192x1024xf32, #tpu.memory_space<hbm>> -> memref<1x56x1024xf32, #tpu.memory_space<hbm>>
    %dma_wait3A_395 = tpu.memref_squeeze %dma_wait3A_394 : memref<1x56x1024xf32, #tpu.memory_space<hbm>> -> memref<56x1024xf32, #tpu.memory_space<hbm>>
    %dma_wait3A_396 = arith.constant 0 : i32
    %dma_wait3A_397 = tpu.memref_slice %arg3[%dma_wait3A_389, %add3A_334, %dma_wait3A_396] : memref<4x8192x1024xf32, #tpu.memory_space<hbm>> -> memref<1x56x1024xf32, #tpu.memory_space<hbm>>
    %dma_wait3A_398 = tpu.memref_squeeze %dma_wait3A_397 : memref<1x56x1024xf32, #tpu.memory_space<hbm>> -> memref<56x1024xf32, #tpu.memory_space<hbm>>
    %dma_wait3A_399 = arith.constant 0 : i32
    %dma_wait3A_400 = arith.constant 0 : i32
    %dma_wait3A_401 = tpu.memref_slice %arg4[%dma_wait3A_399, %dma_wait3A_400] : memref<56x1024xf32, #tpu.memory_space<vmem>> -> memref<56x1024xf32, #tpu.memory_space<vmem>>
    tpu.wait_dma2 semaphore(%arg8 : memref<!tpu.dma_semaphore, #tpu.memory_space<semaphore_mem>>) src(%dma_wait3A_401 : memref<56x1024xf32, #tpu.memory_space<vmem>>) dst(%dma_wait3A_398 : memref<56x1024xf32, #tpu.memory_space<hbm>>)
    %dma_wait3A_402 = arith.constant 3 : i32
    %dma_wait3A_403 = arith.constant 0 : i32
    %dma_wait3A_404 = arith.constant 0 : i32
    %dma_wait3A_405 = tpu.memref_slice %arg4[%dma_wait3A_403, %dma_wait3A_404] : memref<56x1024xf32, #tpu.memory_space<vmem>> -> memref<56x1024xf32, #tpu.memory_space<vmem>>
    %dma_wait3A_406 = arith.constant 0 : i32
    %dma_wait3A_407 = tpu.memref_slice %arg3[%dma_wait3A_402, %add3A_349, %dma_wait3A_406] : memref<4x8192x1024xf32, #tpu.memory_space<hbm>> -> memref<1x56x1024xf32, #tpu.memory_space<hbm>>
    %dma_wait3A_408 = tpu.memref_squeeze %dma_wait3A_407 : memref<1x56x1024xf32, #tpu.memory_space<hbm>> -> memref<56x1024xf32, #tpu.memory_space<hbm>>
    %dma_wait3A_409 = arith.constant 0 : i32
    %dma_wait3A_410 = tpu.memref_slice %arg3[%dma_wait3A_402, %add3A_349, %dma_wait3A_409] : memref<4x8192x1024xf32, #tpu.memory_space<hbm>> -> memref<1x56x1024xf32, #tpu.memory_space<hbm>>
    %dma_wait3A_411 = tpu.memref_squeeze %dma_wait3A_410 : memref<1x56x1024xf32, #tpu.memory_space<hbm>> -> memref<56x1024xf32, #tpu.memory_space<hbm>>
    %dma_wait3A_412 = arith.constant 0 : i32
    %dma_wait3A_413 = arith.constant 0 : i32
    %dma_wait3A_414 = tpu.memref_slice %arg4[%dma_wait3A_412, %dma_wait3A_413] : memref<56x1024xf32, #tpu.memory_space<vmem>> -> memref<56x1024xf32, #tpu.memory_space<vmem>>
    tpu.wait_dma2 semaphore(%arg8 : memref<!tpu.dma_semaphore, #tpu.memory_space<semaphore_mem>>) src(%dma_wait3A_414 : memref<56x1024xf32, #tpu.memory_space<vmem>>) dst(%dma_wait3A_411 : memref<56x1024xf32, #tpu.memory_space<hbm>>)
    %add3A_415 = arith.constant 224 : i32
    %add3A_416 = arith.addi %mul3A_2, %add3A_415 : i32
    %dma_start3A_417 = arith.constant 0 : i32
    %dma_start3A_418 = arith.constant 0 : i32
    %dma_start3A_419 = tpu.memref_slice %arg4[%dma_start3A_417, %dma_start3A_418] : memref<56x1024xf32, #tpu.memory_space<vmem>> -> memref<32x1024xf32, #tpu.memory_space<vmem>>
    %dma_start3A_420 = arith.constant 0 : i32
    %dma_start3A_421 = tpu.memref_slice %arg2[%add3A_416, %dma_start3A_420] : memref<8192x1024xf32, #tpu.memory_space<hbm>> -> memref<32x1024xf32, #tpu.memory_space<hbm>>
    %dma_start3A_422 = arith.constant 0 : i32
    %dma_start3A_423 = arith.constant 0 : i32
    %dma_start3A_424 = tpu.memref_slice %arg4[%dma_start3A_422, %dma_start3A_423] : memref<56x1024xf32, #tpu.memory_space<vmem>> -> memref<32x1024xf32, #tpu.memory_space<vmem>>
    %dma_start3A_425 = arith.constant 0 : i32
    %dma_start3A_426 = tpu.memref_slice %arg2[%add3A_416, %dma_start3A_425] : memref<8192x1024xf32, #tpu.memory_space<hbm>> -> memref<32x1024xf32, #tpu.memory_space<hbm>>
    tpu.enqueue_dma source(%dma_start3A_426 : memref<32x1024xf32, #tpu.memory_space<hbm>>) target(%dma_start3A_424 : memref<32x1024xf32, #tpu.memory_space<vmem>>) target_semaphore(%arg6 : memref<!tpu.dma_semaphore, #tpu.memory_space<semaphore_mem>>)
    %dma_wait3A_427 = arith.constant 0 : i32
    %dma_wait3A_428 = arith.constant 0 : i32
    %dma_wait3A_429 = tpu.memref_slice %arg5[%dma_wait3A_427, %dma_wait3A_428] : memref<56x1024xf32, #tpu.memory_space<vmem>> -> memref<56x1024xf32, #tpu.memory_space<vmem>>
    %dma_wait3A_430 = arith.constant 0 : i32
    %dma_wait3A_431 = tpu.memref_slice %arg2[%add3A_282, %dma_wait3A_430] : memref<8192x1024xf32, #tpu.memory_space<hbm>> -> memref<56x1024xf32, #tpu.memory_space<hbm>>
    %dma_wait3A_432 = arith.constant 0 : i32
    %dma_wait3A_433 = arith.constant 0 : i32
    %dma_wait3A_434 = tpu.memref_slice %arg5[%dma_wait3A_432, %dma_wait3A_433] : memref<56x1024xf32, #tpu.memory_space<vmem>> -> memref<56x1024xf32, #tpu.memory_space<vmem>>
    %dma_wait3A_435 = arith.constant 0 : i32
    %dma_wait3A_436 = tpu.memref_slice %arg2[%add3A_282, %dma_wait3A_435] : memref<8192x1024xf32, #tpu.memory_space<hbm>> -> memref<56x1024xf32, #tpu.memory_space<hbm>>
    tpu.wait_dma2 semaphore(%arg7 : memref<!tpu.dma_semaphore, #tpu.memory_space<semaphore_mem>>) src(%dma_wait3A_436 : memref<56x1024xf32, #tpu.memory_space<hbm>>) dst(%dma_wait3A_434 : memref<56x1024xf32, #tpu.memory_space<vmem>>)
    %add3A_437 = arith.constant 168 : i32
    %add3A_438 = arith.addi %mul3A_2, %add3A_437 : i32
    %dma_start3A_439 = arith.constant 0 : i32
    %dma_start3A_440 = arith.constant 0 : i32
    %dma_start3A_441 = arith.constant 0 : i32
    %dma_start3A_442 = tpu.memref_slice %arg5[%dma_start3A_440, %dma_start3A_441] : memref<56x1024xf32, #tpu.memory_space<vmem>> -> memref<56x1024xf32, #tpu.memory_space<vmem>>
    %dma_start3A_443 = arith.constant 0 : i32
    %dma_start3A_444 = tpu.memref_slice %arg3[%dma_start3A_439, %add3A_438, %dma_start3A_443] : memref<4x8192x1024xf32, #tpu.memory_space<hbm>> -> memref<1x56x1024xf32, #tpu.memory_space<hbm>>
    %dma_start3A_445 = tpu.memref_squeeze %dma_start3A_444 : memref<1x56x1024xf32, #tpu.memory_space<hbm>> -> memref<56x1024xf32, #tpu.memory_space<hbm>>
    %dma_start3A_446 = arith.constant 0 : i32
    %dma_start3A_447 = tpu.memref_slice %arg3[%dma_start3A_439, %add3A_438, %dma_start3A_446] : memref<4x8192x1024xf32, #tpu.memory_space<hbm>> -> memref<1x56x1024xf32, #tpu.memory_space<hbm>>
    %dma_start3A_448 = tpu.memref_squeeze %dma_start3A_447 : memref<1x56x1024xf32, #tpu.memory_space<hbm>> -> memref<56x1024xf32, #tpu.memory_space<hbm>>
    %dma_start3A_449 = arith.constant 0 : i32
    %dma_start3A_450 = arith.constant 0 : i32
    %dma_start3A_451 = tpu.memref_slice %arg5[%dma_start3A_449, %dma_start3A_450] : memref<56x1024xf32, #tpu.memory_space<vmem>> -> memref<56x1024xf32, #tpu.memory_space<vmem>>
    tpu.enqueue_dma source(%dma_start3A_451 : memref<56x1024xf32, #tpu.memory_space<vmem>>) target(%dma_start3A_448 : memref<56x1024xf32, #tpu.memory_space<hbm>>) target_semaphore(%arg9 : memref<!tpu.dma_semaphore, #tpu.memory_space<semaphore_mem>>)
    %add3A_452 = arith.constant 168 : i32
    %add3A_453 = arith.addi %mul3A_2, %add3A_452 : i32
    %dma_start3A_454 = arith.constant 1 : i32
    %dma_start3A_455 = arith.constant 0 : i32
    %dma_start3A_456 = arith.constant 0 : i32
    %dma_start3A_457 = tpu.memref_slice %arg5[%dma_start3A_455, %dma_start3A_456] : memref<56x1024xf32, #tpu.memory_space<vmem>> -> memref<56x1024xf32, #tpu.memory_space<vmem>>
    %dma_start3A_458 = arith.constant 0 : i32
    %dma_start3A_459 = tpu.memref_slice %arg3[%dma_start3A_454, %add3A_453, %dma_start3A_458] : memref<4x8192x1024xf32, #tpu.memory_space<hbm>> -> memref<1x56x1024xf32, #tpu.memory_space<hbm>>
    %dma_start3A_460 = tpu.memref_squeeze %dma_start3A_459 : memref<1x56x1024xf32, #tpu.memory_space<hbm>> -> memref<56x1024xf32, #tpu.memory_space<hbm>>
    %dma_start3A_461 = arith.constant 0 : i32
    %dma_start3A_462 = tpu.memref_slice %arg3[%dma_start3A_454, %add3A_453, %dma_start3A_461] : memref<4x8192x1024xf32, #tpu.memory_space<hbm>> -> memref<1x56x1024xf32, #tpu.memory_space<hbm>>
    %dma_start3A_463 = tpu.memref_squeeze %dma_start3A_462 : memref<1x56x1024xf32, #tpu.memory_space<hbm>> -> memref<56x1024xf32, #tpu.memory_space<hbm>>
    %dma_start3A_464 = arith.constant 0 : i32
    %dma_start3A_465 = arith.constant 0 : i32
    %dma_start3A_466 = tpu.memref_slice %arg5[%dma_start3A_464, %dma_start3A_465] : memref<56x1024xf32, #tpu.memory_space<vmem>> -> memref<56x1024xf32, #tpu.memory_space<vmem>>
    tpu.enqueue_dma source(%dma_start3A_466 : memref<56x1024xf32, #tpu.memory_space<vmem>>) target(%dma_start3A_463 : memref<56x1024xf32, #tpu.memory_space<hbm>>) target_semaphore(%arg9 : memref<!tpu.dma_semaphore, #tpu.memory_space<semaphore_mem>>)
    %add3A_467 = arith.constant 168 : i32
    %add3A_468 = arith.addi %mul3A_2, %add3A_467 : i32
    %dma_start3A_469 = arith.constant 2 : i32
    %dma_start3A_470 = arith.constant 0 : i32
    %dma_start3A_471 = arith.constant 0 : i32
    %dma_start3A_472 = tpu.memref_slice %arg5[%dma_start3A_470, %dma_start3A_471] : memref<56x1024xf32, #tpu.memory_space<vmem>> -> memref<56x1024xf32, #tpu.memory_space<vmem>>
    %dma_start3A_473 = arith.constant 0 : i32
    %dma_start3A_474 = tpu.memref_slice %arg3[%dma_start3A_469, %add3A_468, %dma_start3A_473] : memref<4x8192x1024xf32, #tpu.memory_space<hbm>> -> memref<1x56x1024xf32, #tpu.memory_space<hbm>>
    %dma_start3A_475 = tpu.memref_squeeze %dma_start3A_474 : memref<1x56x1024xf32, #tpu.memory_space<hbm>> -> memref<56x1024xf32, #tpu.memory_space<hbm>>
    %dma_start3A_476 = arith.constant 0 : i32
    %dma_start3A_477 = tpu.memref_slice %arg3[%dma_start3A_469, %add3A_468, %dma_start3A_476] : memref<4x8192x1024xf32, #tpu.memory_space<hbm>> -> memref<1x56x1024xf32, #tpu.memory_space<hbm>>
    %dma_start3A_478 = tpu.memref_squeeze %dma_start3A_477 : memref<1x56x1024xf32, #tpu.memory_space<hbm>> -> memref<56x1024xf32, #tpu.memory_space<hbm>>
    %dma_start3A_479 = arith.constant 0 : i32
    %dma_start3A_480 = arith.constant 0 : i32
    %dma_start3A_481 = tpu.memref_slice %arg5[%dma_start3A_479, %dma_start3A_480] : memref<56x1024xf32, #tpu.memory_space<vmem>> -> memref<56x1024xf32, #tpu.memory_space<vmem>>
    tpu.enqueue_dma source(%dma_start3A_481 : memref<56x1024xf32, #tpu.memory_space<vmem>>) target(%dma_start3A_478 : memref<56x1024xf32, #tpu.memory_space<hbm>>) target_semaphore(%arg9 : memref<!tpu.dma_semaphore, #tpu.memory_space<semaphore_mem>>)
    %add3A_482 = arith.constant 168 : i32
    %add3A_483 = arith.addi %mul3A_2, %add3A_482 : i32
    %dma_start3A_484 = arith.constant 3 : i32
    %dma_start3A_485 = arith.constant 0 : i32
    %dma_start3A_486 = arith.constant 0 : i32
    %dma_start3A_487 = tpu.memref_slice %arg5[%dma_start3A_485, %dma_start3A_486] : memref<56x1024xf32, #tpu.memory_space<vmem>> -> memref<56x1024xf32, #tpu.memory_space<vmem>>
    %dma_start3A_488 = arith.constant 0 : i32
    %dma_start3A_489 = tpu.memref_slice %arg3[%dma_start3A_484, %add3A_483, %dma_start3A_488] : memref<4x8192x1024xf32, #tpu.memory_space<hbm>> -> memref<1x56x1024xf32, #tpu.memory_space<hbm>>
    %dma_start3A_490 = tpu.memref_squeeze %dma_start3A_489 : memref<1x56x1024xf32, #tpu.memory_space<hbm>> -> memref<56x1024xf32, #tpu.memory_space<hbm>>
    %dma_start3A_491 = arith.constant 0 : i32
    %dma_start3A_492 = tpu.memref_slice %arg3[%dma_start3A_484, %add3A_483, %dma_start3A_491] : memref<4x8192x1024xf32, #tpu.memory_space<hbm>> -> memref<1x56x1024xf32, #tpu.memory_space<hbm>>
    %dma_start3A_493 = tpu.memref_squeeze %dma_start3A_492 : memref<1x56x1024xf32, #tpu.memory_space<hbm>> -> memref<56x1024xf32, #tpu.memory_space<hbm>>
    %dma_start3A_494 = arith.constant 0 : i32
    %dma_start3A_495 = arith.constant 0 : i32
    %dma_start3A_496 = tpu.memref_slice %arg5[%dma_start3A_494, %dma_start3A_495] : memref<56x1024xf32, #tpu.memory_space<vmem>> -> memref<56x1024xf32, #tpu.memory_space<vmem>>
    tpu.enqueue_dma source(%dma_start3A_496 : memref<56x1024xf32, #tpu.memory_space<vmem>>) target(%dma_start3A_493 : memref<56x1024xf32, #tpu.memory_space<hbm>>) target_semaphore(%arg9 : memref<!tpu.dma_semaphore, #tpu.memory_space<semaphore_mem>>)
    %dma_wait3A_497 = arith.constant 0 : i32
    %dma_wait3A_498 = arith.constant 0 : i32
    %dma_wait3A_499 = tpu.memref_slice %arg4[%dma_wait3A_497, %dma_wait3A_498] : memref<56x1024xf32, #tpu.memory_space<vmem>> -> memref<32x1024xf32, #tpu.memory_space<vmem>>
    %dma_wait3A_500 = arith.constant 0 : i32
    %dma_wait3A_501 = tpu.memref_slice %arg2[%add3A_416, %dma_wait3A_500] : memref<8192x1024xf32, #tpu.memory_space<hbm>> -> memref<32x1024xf32, #tpu.memory_space<hbm>>
    %dma_wait3A_502 = arith.constant 0 : i32
    %dma_wait3A_503 = arith.constant 0 : i32
    %dma_wait3A_504 = tpu.memref_slice %arg4[%dma_wait3A_502, %dma_wait3A_503] : memref<56x1024xf32, #tpu.memory_space<vmem>> -> memref<32x1024xf32, #tpu.memory_space<vmem>>
    %dma_wait3A_505 = arith.constant 0 : i32
    %dma_wait3A_506 = tpu.memref_slice %arg2[%add3A_416, %dma_wait3A_505] : memref<8192x1024xf32, #tpu.memory_space<hbm>> -> memref<32x1024xf32, #tpu.memory_space<hbm>>
    tpu.wait_dma2 semaphore(%arg6 : memref<!tpu.dma_semaphore, #tpu.memory_space<semaphore_mem>>) src(%dma_wait3A_506 : memref<32x1024xf32, #tpu.memory_space<hbm>>) dst(%dma_wait3A_504 : memref<32x1024xf32, #tpu.memory_space<vmem>>)
    %add3A_507 = arith.constant 224 : i32
    %add3A_508 = arith.addi %mul3A_2, %add3A_507 : i32
    %dma_start3A_509 = arith.constant 0 : i32
    %dma_start3A_510 = arith.constant 0 : i32
    %dma_start3A_511 = arith.constant 0 : i32
    %dma_start3A_512 = tpu.memref_slice %arg4[%dma_start3A_510, %dma_start3A_511] : memref<56x1024xf32, #tpu.memory_space<vmem>> -> memref<32x1024xf32, #tpu.memory_space<vmem>>
    %dma_start3A_513 = arith.constant 0 : i32
    %dma_start3A_514 = tpu.memref_slice %arg3[%dma_start3A_509, %add3A_508, %dma_start3A_513] : memref<4x8192x1024xf32, #tpu.memory_space<hbm>> -> memref<1x32x1024xf32, #tpu.memory_space<hbm>>
    %dma_start3A_515 = tpu.memref_squeeze %dma_start3A_514 : memref<1x32x1024xf32, #tpu.memory_space<hbm>> -> memref<32x1024xf32, #tpu.memory_space<hbm>>
    %dma_start3A_516 = arith.constant 0 : i32
    %dma_start3A_517 = tpu.memref_slice %arg3[%dma_start3A_509, %add3A_508, %dma_start3A_516] : memref<4x8192x1024xf32, #tpu.memory_space<hbm>> -> memref<1x32x1024xf32, #tpu.memory_space<hbm>>
    %dma_start3A_518 = tpu.memref_squeeze %dma_start3A_517 : memref<1x32x1024xf32, #tpu.memory_space<hbm>> -> memref<32x1024xf32, #tpu.memory_space<hbm>>
    %dma_start3A_519 = arith.constant 0 : i32
    %dma_start3A_520 = arith.constant 0 : i32
    %dma_start3A_521 = tpu.memref_slice %arg4[%dma_start3A_519, %dma_start3A_520] : memref<56x1024xf32, #tpu.memory_space<vmem>> -> memref<32x1024xf32, #tpu.memory_space<vmem>>
    tpu.enqueue_dma source(%dma_start3A_521 : memref<32x1024xf32, #tpu.memory_space<vmem>>) target(%dma_start3A_518 : memref<32x1024xf32, #tpu.memory_space<hbm>>) target_semaphore(%arg8 : memref<!tpu.dma_semaphore, #tpu.memory_space<semaphore_mem>>)
    %add3A_522 = arith.constant 224 : i32
    %add3A_523 = arith.addi %mul3A_2, %add3A_522 : i32
    %dma_start3A_524 = arith.constant 1 : i32
    %dma_start3A_525 = arith.constant 0 : i32
    %dma_start3A_526 = arith.constant 0 : i32
    %dma_start3A_527 = tpu.memref_slice %arg4[%dma_start3A_525, %dma_start3A_526] : memref<56x1024xf32, #tpu.memory_space<vmem>> -> memref<32x1024xf32, #tpu.memory_space<vmem>>
    %dma_start3A_528 = arith.constant 0 : i32
    %dma_start3A_529 = tpu.memref_slice %arg3[%dma_start3A_524, %add3A_523, %dma_start3A_528] : memref<4x8192x1024xf32, #tpu.memory_space<hbm>> -> memref<1x32x1024xf32, #tpu.memory_space<hbm>>
    %dma_start3A_530 = tpu.memref_squeeze %dma_start3A_529 : memref<1x32x1024xf32, #tpu.memory_space<hbm>> -> memref<32x1024xf32, #tpu.memory_space<hbm>>
    %dma_start3A_531 = arith.constant 0 : i32
    %dma_start3A_532 = tpu.memref_slice %arg3[%dma_start3A_524, %add3A_523, %dma_start3A_531] : memref<4x8192x1024xf32, #tpu.memory_space<hbm>> -> memref<1x32x1024xf32, #tpu.memory_space<hbm>>
    %dma_start3A_533 = tpu.memref_squeeze %dma_start3A_532 : memref<1x32x1024xf32, #tpu.memory_space<hbm>> -> memref<32x1024xf32, #tpu.memory_space<hbm>>
    %dma_start3A_534 = arith.constant 0 : i32
    %dma_start3A_535 = arith.constant 0 : i32
    %dma_start3A_536 = tpu.memref_slice %arg4[%dma_start3A_534, %dma_start3A_535] : memref<56x1024xf32, #tpu.memory_space<vmem>> -> memref<32x1024xf32, #tpu.memory_space<vmem>>
    tpu.enqueue_dma source(%dma_start3A_536 : memref<32x1024xf32, #tpu.memory_space<vmem>>) target(%dma_start3A_533 : memref<32x1024xf32, #tpu.memory_space<hbm>>) target_semaphore(%arg8 : memref<!tpu.dma_semaphore, #tpu.memory_space<semaphore_mem>>)
    %add3A_537 = arith.constant 224 : i32
    %add3A_538 = arith.addi %mul3A_2, %add3A_537 : i32
    %dma_start3A_539 = arith.constant 2 : i32
    %dma_start3A_540 = arith.constant 0 : i32
    %dma_start3A_541 = arith.constant 0 : i32
    %dma_start3A_542 = tpu.memref_slice %arg4[%dma_start3A_540, %dma_start3A_541] : memref<56x1024xf32, #tpu.memory_space<vmem>> -> memref<32x1024xf32, #tpu.memory_space<vmem>>
    %dma_start3A_543 = arith.constant 0 : i32
    %dma_start3A_544 = tpu.memref_slice %arg3[%dma_start3A_539, %add3A_538, %dma_start3A_543] : memref<4x8192x1024xf32, #tpu.memory_space<hbm>> -> memref<1x32x1024xf32, #tpu.memory_space<hbm>>
    %dma_start3A_545 = tpu.memref_squeeze %dma_start3A_544 : memref<1x32x1024xf32, #tpu.memory_space<hbm>> -> memref<32x1024xf32, #tpu.memory_space<hbm>>
    %dma_start3A_546 = arith.constant 0 : i32
    %dma_start3A_547 = tpu.memref_slice %arg3[%dma_start3A_539, %add3A_538, %dma_start3A_546] : memref<4x8192x1024xf32, #tpu.memory_space<hbm>> -> memref<1x32x1024xf32, #tpu.memory_space<hbm>>
    %dma_start3A_548 = tpu.memref_squeeze %dma_start3A_547 : memref<1x32x1024xf32, #tpu.memory_space<hbm>> -> memref<32x1024xf32, #tpu.memory_space<hbm>>
    %dma_start3A_549 = arith.constant 0 : i32
    %dma_start3A_550 = arith.constant 0 : i32
    %dma_start3A_551 = tpu.memref_slice %arg4[%dma_start3A_549, %dma_start3A_550] : memref<56x1024xf32, #tpu.memory_space<vmem>> -> memref<32x1024xf32, #tpu.memory_space<vmem>>
    tpu.enqueue_dma source(%dma_start3A_551 : memref<32x1024xf32, #tpu.memory_space<vmem>>) target(%dma_start3A_548 : memref<32x1024xf32, #tpu.memory_space<hbm>>) target_semaphore(%arg8 : memref<!tpu.dma_semaphore, #tpu.memory_space<semaphore_mem>>)
    %add3A_552 = arith.constant 224 : i32
    %add3A_553 = arith.addi %mul3A_2, %add3A_552 : i32
    %dma_start3A_554 = arith.constant 3 : i32
    %dma_start3A_555 = arith.constant 0 : i32
    %dma_start3A_556 = arith.constant 0 : i32
    %dma_start3A_557 = tpu.memref_slice %arg4[%dma_start3A_555, %dma_start3A_556] : memref<56x1024xf32, #tpu.memory_space<vmem>> -> memref<32x1024xf32, #tpu.memory_space<vmem>>
    %dma_start3A_558 = arith.constant 0 : i32
    %dma_start3A_559 = tpu.memref_slice %arg3[%dma_start3A_554, %add3A_553, %dma_start3A_558] : memref<4x8192x1024xf32, #tpu.memory_space<hbm>> -> memref<1x32x1024xf32, #tpu.memory_space<hbm>>
    %dma_start3A_560 = tpu.memref_squeeze %dma_start3A_559 : memref<1x32x1024xf32, #tpu.memory_space<hbm>> -> memref<32x1024xf32, #tpu.memory_space<hbm>>
    %dma_start3A_561 = arith.constant 0 : i32
    %dma_start3A_562 = tpu.memref_slice %arg3[%dma_start3A_554, %add3A_553, %dma_start3A_561] : memref<4x8192x1024xf32, #tpu.memory_space<hbm>> -> memref<1x32x1024xf32, #tpu.memory_space<hbm>>
    %dma_start3A_563 = tpu.memref_squeeze %dma_start3A_562 : memref<1x32x1024xf32, #tpu.memory_space<hbm>> -> memref<32x1024xf32, #tpu.memory_space<hbm>>
    %dma_start3A_564 = arith.constant 0 : i32
    %dma_start3A_565 = arith.constant 0 : i32
    %dma_start3A_566 = tpu.memref_slice %arg4[%dma_start3A_564, %dma_start3A_565] : memref<56x1024xf32, #tpu.memory_space<vmem>> -> memref<32x1024xf32, #tpu.memory_space<vmem>>
    tpu.enqueue_dma source(%dma_start3A_566 : memref<32x1024xf32, #tpu.memory_space<vmem>>) target(%dma_start3A_563 : memref<32x1024xf32, #tpu.memory_space<hbm>>) target_semaphore(%arg8 : memref<!tpu.dma_semaphore, #tpu.memory_space<semaphore_mem>>)
    %dma_wait3A_567 = arith.constant 0 : i32
    %dma_wait3A_568 = arith.constant 0 : i32
    %dma_wait3A_569 = arith.constant 0 : i32
    %dma_wait3A_570 = tpu.memref_slice %arg5[%dma_wait3A_568, %dma_wait3A_569] : memref<56x1024xf32, #tpu.memory_space<vmem>> -> memref<56x1024xf32, #tpu.memory_space<vmem>>
    %dma_wait3A_571 = arith.constant 0 : i32
    %dma_wait3A_572 = tpu.memref_slice %arg3[%dma_wait3A_567, %add3A_438, %dma_wait3A_571] : memref<4x8192x1024xf32, #tpu.memory_space<hbm>> -> memref<1x56x1024xf32, #tpu.memory_space<hbm>>
    %dma_wait3A_573 = tpu.memref_squeeze %dma_wait3A_572 : memref<1x56x1024xf32, #tpu.memory_space<hbm>> -> memref<56x1024xf32, #tpu.memory_space<hbm>>
    %dma_wait3A_574 = arith.constant 0 : i32
    %dma_wait3A_575 = tpu.memref_slice %arg3[%dma_wait3A_567, %add3A_438, %dma_wait3A_574] : memref<4x8192x1024xf32, #tpu.memory_space<hbm>> -> memref<1x56x1024xf32, #tpu.memory_space<hbm>>
    %dma_wait3A_576 = tpu.memref_squeeze %dma_wait3A_575 : memref<1x56x1024xf32, #tpu.memory_space<hbm>> -> memref<56x1024xf32, #tpu.memory_space<hbm>>
    %dma_wait3A_577 = arith.constant 0 : i32
    %dma_wait3A_578 = arith.constant 0 : i32
    %dma_wait3A_579 = tpu.memref_slice %arg5[%dma_wait3A_577, %dma_wait3A_578] : memref<56x1024xf32, #tpu.memory_space<vmem>> -> memref<56x1024xf32, #tpu.memory_space<vmem>>
    tpu.wait_dma2 semaphore(%arg9 : memref<!tpu.dma_semaphore, #tpu.memory_space<semaphore_mem>>) src(%dma_wait3A_579 : memref<56x1024xf32, #tpu.memory_space<vmem>>) dst(%dma_wait3A_576 : memref<56x1024xf32, #tpu.memory_space<hbm>>)
    %dma_wait3A_580 = arith.constant 1 : i32
    %dma_wait3A_581 = arith.constant 0 : i32
    %dma_wait3A_582 = arith.constant 0 : i32
    %dma_wait3A_583 = tpu.memref_slice %arg5[%dma_wait3A_581, %dma_wait3A_582] : memref<56x1024xf32, #tpu.memory_space<vmem>> -> memref<56x1024xf32, #tpu.memory_space<vmem>>
    %dma_wait3A_584 = arith.constant 0 : i32
    %dma_wait3A_585 = tpu.memref_slice %arg3[%dma_wait3A_580, %add3A_453, %dma_wait3A_584] : memref<4x8192x1024xf32, #tpu.memory_space<hbm>> -> memref<1x56x1024xf32, #tpu.memory_space<hbm>>
    %dma_wait3A_586 = tpu.memref_squeeze %dma_wait3A_585 : memref<1x56x1024xf32, #tpu.memory_space<hbm>> -> memref<56x1024xf32, #tpu.memory_space<hbm>>
    %dma_wait3A_587 = arith.constant 0 : i32
    %dma_wait3A_588 = tpu.memref_slice %arg3[%dma_wait3A_580, %add3A_453, %dma_wait3A_587] : memref<4x8192x1024xf32, #tpu.memory_space<hbm>> -> memref<1x56x1024xf32, #tpu.memory_space<hbm>>
    %dma_wait3A_589 = tpu.memref_squeeze %dma_wait3A_588 : memref<1x56x1024xf32, #tpu.memory_space<hbm>> -> memref<56x1024xf32, #tpu.memory_space<hbm>>
    %dma_wait3A_590 = arith.constant 0 : i32
    %dma_wait3A_591 = arith.constant 0 : i32
    %dma_wait3A_592 = tpu.memref_slice %arg5[%dma_wait3A_590, %dma_wait3A_591] : memref<56x1024xf32, #tpu.memory_space<vmem>> -> memref<56x1024xf32, #tpu.memory_space<vmem>>
    tpu.wait_dma2 semaphore(%arg9 : memref<!tpu.dma_semaphore, #tpu.memory_space<semaphore_mem>>) src(%dma_wait3A_592 : memref<56x1024xf32, #tpu.memory_space<vmem>>) dst(%dma_wait3A_589 : memref<56x1024xf32, #tpu.memory_space<hbm>>)
    %dma_wait3A_593 = arith.constant 2 : i32
    %dma_wait3A_594 = arith.constant 0 : i32
    %dma_wait3A_595 = arith.constant 0 : i32
    %dma_wait3A_596 = tpu.memref_slice %arg5[%dma_wait3A_594, %dma_wait3A_595] : memref<56x1024xf32, #tpu.memory_space<vmem>> -> memref<56x1024xf32, #tpu.memory_space<vmem>>
    %dma_wait3A_597 = arith.constant 0 : i32
    %dma_wait3A_598 = tpu.memref_slice %arg3[%dma_wait3A_593, %add3A_468, %dma_wait3A_597] : memref<4x8192x1024xf32, #tpu.memory_space<hbm>> -> memref<1x56x1024xf32, #tpu.memory_space<hbm>>
    %dma_wait3A_599 = tpu.memref_squeeze %dma_wait3A_598 : memref<1x56x1024xf32, #tpu.memory_space<hbm>> -> memref<56x1024xf32, #tpu.memory_space<hbm>>
    %dma_wait3A_600 = arith.constant 0 : i32
    %dma_wait3A_601 = tpu.memref_slice %arg3[%dma_wait3A_593, %add3A_468, %dma_wait3A_600] : memref<4x8192x1024xf32, #tpu.memory_space<hbm>> -> memref<1x56x1024xf32, #tpu.memory_space<hbm>>
    %dma_wait3A_602 = tpu.memref_squeeze %dma_wait3A_601 : memref<1x56x1024xf32, #tpu.memory_space<hbm>> -> memref<56x1024xf32, #tpu.memory_space<hbm>>
    %dma_wait3A_603 = arith.constant 0 : i32
    %dma_wait3A_604 = arith.constant 0 : i32
    %dma_wait3A_605 = tpu.memref_slice %arg5[%dma_wait3A_603, %dma_wait3A_604] : memref<56x1024xf32, #tpu.memory_space<vmem>> -> memref<56x1024xf32, #tpu.memory_space<vmem>>
    tpu.wait_dma2 semaphore(%arg9 : memref<!tpu.dma_semaphore, #tpu.memory_space<semaphore_mem>>) src(%dma_wait3A_605 : memref<56x1024xf32, #tpu.memory_space<vmem>>) dst(%dma_wait3A_602 : memref<56x1024xf32, #tpu.memory_space<hbm>>)
    %dma_wait3A_606 = arith.constant 3 : i32
    %dma_wait3A_607 = arith.constant 0 : i32
    %dma_wait3A_608 = arith.constant 0 : i32
    %dma_wait3A_609 = tpu.memref_slice %arg5[%dma_wait3A_607, %dma_wait3A_608] : memref<56x1024xf32, #tpu.memory_space<vmem>> -> memref<56x1024xf32, #tpu.memory_space<vmem>>
    %dma_wait3A_610 = arith.constant 0 : i32
    %dma_wait3A_611 = tpu.memref_slice %arg3[%dma_wait3A_606, %add3A_483, %dma_wait3A_610] : memref<4x8192x1024xf32, #tpu.memory_space<hbm>> -> memref<1x56x1024xf32, #tpu.memory_space<hbm>>
    %dma_wait3A_612 = tpu.memref_squeeze %dma_wait3A_611 : memref<1x56x1024xf32, #tpu.memory_space<hbm>> -> memref<56x1024xf32, #tpu.memory_space<hbm>>
    %dma_wait3A_613 = arith.constant 0 : i32
    %dma_wait3A_614 = tpu.memref_slice %arg3[%dma_wait3A_606, %add3A_483, %dma_wait3A_613] : memref<4x8192x1024xf32, #tpu.memory_space<hbm>> -> memref<1x56x1024xf32, #tpu.memory_space<hbm>>
    %dma_wait3A_615 = tpu.memref_squeeze %dma_wait3A_614 : memref<1x56x1024xf32, #tpu.memory_space<hbm>> -> memref<56x1024xf32, #tpu.memory_space<hbm>>
    %dma_wait3A_616 = arith.constant 0 : i32
    %dma_wait3A_617 = arith.constant 0 : i32
    %dma_wait3A_618 = tpu.memref_slice %arg5[%dma_wait3A_616, %dma_wait3A_617] : memref<56x1024xf32, #tpu.memory_space<vmem>> -> memref<56x1024xf32, #tpu.memory_space<vmem>>
    tpu.wait_dma2 semaphore(%arg9 : memref<!tpu.dma_semaphore, #tpu.memory_space<semaphore_mem>>) src(%dma_wait3A_618 : memref<56x1024xf32, #tpu.memory_space<vmem>>) dst(%dma_wait3A_615 : memref<56x1024xf32, #tpu.memory_space<hbm>>)
    %dma_wait3A_619 = arith.constant 0 : i32
    %dma_wait3A_620 = arith.constant 0 : i32
    %dma_wait3A_621 = arith.constant 0 : i32
    %dma_wait3A_622 = tpu.memref_slice %arg4[%dma_wait3A_620, %dma_wait3A_621] : memref<56x1024xf32, #tpu.memory_space<vmem>> -> memref<32x1024xf32, #tpu.memory_space<vmem>>
    %dma_wait3A_623 = arith.constant 0 : i32
    %dma_wait3A_624 = tpu.memref_slice %arg3[%dma_wait3A_619, %add3A_508, %dma_wait3A_623] : memref<4x8192x1024xf32, #tpu.memory_space<hbm>> -> memref<1x32x1024xf32, #tpu.memory_space<hbm>>
    %dma_wait3A_625 = tpu.memref_squeeze %dma_wait3A_624 : memref<1x32x1024xf32, #tpu.memory_space<hbm>> -> memref<32x1024xf32, #tpu.memory_space<hbm>>
    %dma_wait3A_626 = arith.constant 0 : i32
    %dma_wait3A_627 = tpu.memref_slice %arg3[%dma_wait3A_619, %add3A_508, %dma_wait3A_626] : memref<4x8192x1024xf32, #tpu.memory_space<hbm>> -> memref<1x32x1024xf32, #tpu.memory_space<hbm>>
    %dma_wait3A_628 = tpu.memref_squeeze %dma_wait3A_627 : memref<1x32x1024xf32, #tpu.memory_space<hbm>> -> memref<32x1024xf32, #tpu.memory_space<hbm>>
    %dma_wait3A_629 = arith.constant 0 : i32
    %dma_wait3A_630 = arith.constant 0 : i32
    %dma_wait3A_631 = tpu.memref_slice %arg4[%dma_wait3A_629, %dma_wait3A_630] : memref<56x1024xf32, #tpu.memory_space<vmem>> -> memref<32x1024xf32, #tpu.memory_space<vmem>>
    tpu.wait_dma2 semaphore(%arg8 : memref<!tpu.dma_semaphore, #tpu.memory_space<semaphore_mem>>) src(%dma_wait3A_631 : memref<32x1024xf32, #tpu.memory_space<vmem>>) dst(%dma_wait3A_628 : memref<32x1024xf32, #tpu.memory_space<hbm>>)
    %dma_wait3A_632 = arith.constant 1 : i32
    %dma_wait3A_633 = arith.constant 0 : i32
    %dma_wait3A_634 = arith.constant 0 : i32
    %dma_wait3A_635 = tpu.memref_slice %arg4[%dma_wait3A_633, %dma_wait3A_634] : memref<56x1024xf32, #tpu.memory_space<vmem>> -> memref<32x1024xf32, #tpu.memory_space<vmem>>
    %dma_wait3A_636 = arith.constant 0 : i32
    %dma_wait3A_637 = tpu.memref_slice %arg3[%dma_wait3A_632, %add3A_523, %dma_wait3A_636] : memref<4x8192x1024xf32, #tpu.memory_space<hbm>> -> memref<1x32x1024xf32, #tpu.memory_space<hbm>>
    %dma_wait3A_638 = tpu.memref_squeeze %dma_wait3A_637 : memref<1x32x1024xf32, #tpu.memory_space<hbm>> -> memref<32x1024xf32, #tpu.memory_space<hbm>>
    %dma_wait3A_639 = arith.constant 0 : i32
    %dma_wait3A_640 = tpu.memref_slice %arg3[%dma_wait3A_632, %add3A_523, %dma_wait3A_639] : memref<4x8192x1024xf32, #tpu.memory_space<hbm>> -> memref<1x32x1024xf32, #tpu.memory_space<hbm>>
    %dma_wait3A_641 = tpu.memref_squeeze %dma_wait3A_640 : memref<1x32x1024xf32, #tpu.memory_space<hbm>> -> memref<32x1024xf32, #tpu.memory_space<hbm>>
    %dma_wait3A_642 = arith.constant 0 : i32
    %dma_wait3A_643 = arith.constant 0 : i32
    %dma_wait3A_644 = tpu.memref_slice %arg4[%dma_wait3A_642, %dma_wait3A_643] : memref<56x1024xf32, #tpu.memory_space<vmem>> -> memref<32x1024xf32, #tpu.memory_space<vmem>>
    tpu.wait_dma2 semaphore(%arg8 : memref<!tpu.dma_semaphore, #tpu.memory_space<semaphore_mem>>) src(%dma_wait3A_644 : memref<32x1024xf32, #tpu.memory_space<vmem>>) dst(%dma_wait3A_641 : memref<32x1024xf32, #tpu.memory_space<hbm>>)
    %dma_wait3A_645 = arith.constant 2 : i32
    %dma_wait3A_646 = arith.constant 0 : i32
    %dma_wait3A_647 = arith.constant 0 : i32
    %dma_wait3A_648 = tpu.memref_slice %arg4[%dma_wait3A_646, %dma_wait3A_647] : memref<56x1024xf32, #tpu.memory_space<vmem>> -> memref<32x1024xf32, #tpu.memory_space<vmem>>
    %dma_wait3A_649 = arith.constant 0 : i32
    %dma_wait3A_650 = tpu.memref_slice %arg3[%dma_wait3A_645, %add3A_538, %dma_wait3A_649] : memref<4x8192x1024xf32, #tpu.memory_space<hbm>> -> memref<1x32x1024xf32, #tpu.memory_space<hbm>>
    %dma_wait3A_651 = tpu.memref_squeeze %dma_wait3A_650 : memref<1x32x1024xf32, #tpu.memory_space<hbm>> -> memref<32x1024xf32, #tpu.memory_space<hbm>>
    %dma_wait3A_652 = arith.constant 0 : i32
    %dma_wait3A_653 = tpu.memref_slice %arg3[%dma_wait3A_645, %add3A_538, %dma_wait3A_652] : memref<4x8192x1024xf32, #tpu.memory_space<hbm>> -> memref<1x32x1024xf32, #tpu.memory_space<hbm>>
    %dma_wait3A_654 = tpu.memref_squeeze %dma_wait3A_653 : memref<1x32x1024xf32, #tpu.memory_space<hbm>> -> memref<32x1024xf32, #tpu.memory_space<hbm>>
    %dma_wait3A_655 = arith.constant 0 : i32
    %dma_wait3A_656 = arith.constant 0 : i32
    %dma_wait3A_657 = tpu.memref_slice %arg4[%dma_wait3A_655, %dma_wait3A_656] : memref<56x1024xf32, #tpu.memory_space<vmem>> -> memref<32x1024xf32, #tpu.memory_space<vmem>>
    tpu.wait_dma2 semaphore(%arg8 : memref<!tpu.dma_semaphore, #tpu.memory_space<semaphore_mem>>) src(%dma_wait3A_657 : memref<32x1024xf32, #tpu.memory_space<vmem>>) dst(%dma_wait3A_654 : memref<32x1024xf32, #tpu.memory_space<hbm>>)
    %dma_wait3A_658 = arith.constant 3 : i32
    %dma_wait3A_659 = arith.constant 0 : i32
    %dma_wait3A_660 = arith.constant 0 : i32
    %dma_wait3A_661 = tpu.memref_slice %arg4[%dma_wait3A_659, %dma_wait3A_660] : memref<56x1024xf32, #tpu.memory_space<vmem>> -> memref<32x1024xf32, #tpu.memory_space<vmem>>
    %dma_wait3A_662 = arith.constant 0 : i32
    %dma_wait3A_663 = tpu.memref_slice %arg3[%dma_wait3A_658, %add3A_553, %dma_wait3A_662] : memref<4x8192x1024xf32, #tpu.memory_space<hbm>> -> memref<1x32x1024xf32, #tpu.memory_space<hbm>>
    %dma_wait3A_664 = tpu.memref_squeeze %dma_wait3A_663 : memref<1x32x1024xf32, #tpu.memory_space<hbm>> -> memref<32x1024xf32, #tpu.memory_space<hbm>>
    %dma_wait3A_665 = arith.constant 0 : i32
    %dma_wait3A_666 = tpu.memref_slice %arg3[%dma_wait3A_658, %add3A_553, %dma_wait3A_665] : memref<4x8192x1024xf32, #tpu.memory_space<hbm>> -> memref<1x32x1024xf32, #tpu.memory_space<hbm>>
    %dma_wait3A_667 = tpu.memref_squeeze %dma_wait3A_666 : memref<1x32x1024xf32, #tpu.memory_space<hbm>> -> memref<32x1024xf32, #tpu.memory_space<hbm>>
    %dma_wait3A_668 = arith.constant 0 : i32
    %dma_wait3A_669 = arith.constant 0 : i32
    %dma_wait3A_670 = tpu.memref_slice %arg4[%dma_wait3A_668, %dma_wait3A_669] : memref<56x1024xf32, #tpu.memory_space<vmem>> -> memref<32x1024xf32, #tpu.memory_space<vmem>>
    tpu.wait_dma2 semaphore(%arg8 : memref<!tpu.dma_semaphore, #tpu.memory_space<semaphore_mem>>) src(%dma_wait3A_670 : memref<32x1024xf32, #tpu.memory_space<vmem>>) dst(%dma_wait3A_667 : memref<32x1024xf32, #tpu.memory_space<hbm>>)
    return
  }
}

</mosaic_0001>

<sc_bundles>
// kernel: _pos_embed.3.cloned.1.call-start
scs
__scs_entry_jumppad:
0x0: {  	(pc) =	sbr.rel $0x88, $3  }
0x1: {  	(tag) =	ssettag $0x0;
	lr =	simm.s32 $0x1  }
0x2: {  	[smem:$0x3FA0] =	sst lr;
	_ =	strace $0xD0000000  }
0x3: {  	_ = 	snop  }
0x4: {  	_ = 	snop  }
0x5: {  	_ = 	snop  }
0x6: {  	_ = 	snop  }
0x7: {  	_ = 	snop  }
__scs_overlays_trampoline_lowered:
0x8: {  	[smem:$0x3FAF] =	sst s0  }
0x9: {  	[smem:$0x3FB0] =	sst s1  }
0xa: {  	[smem:$0x3FB1] =	sst s2  }
0xb: {  	[smem:$0x3FB2] =	sst s3  }
0xc: {  	[smem:$0x3FB3] =	sst s4  }
0xd: {  	[smem:$0x3FB4] =	sst s5  }
0xe: {  	[smem:$0x3FB5] =	sst s6  }
0xf: {  	[smem:$0x3FB6] =	sst s7  }
0x10: {  	[smem:$0x3FB7] =	sst s8  }
0x11: {  	[smem:$0x3FB8] =	sst s9;
	s0 =	simm.s32 @!p0 $0x0  }
0x12: {  	s1 =	sld [smem:$0x3F9E];
	s0 =	simm.s32 @p0 $0x1  }
0x13: {  	[smem:$0x3FB9] =	sst s0;
	s0 =	simm.s32 @!p1 $0x0  }
0x14: {  	s2 =	sld [smem:$0x3F9D];
	s0 =	simm.s32 @p1 $0x1  }
0x15: {  	[smem:$0x3FBA] =	sst s0;
	s0 =	simm.s32 @!p2 $0x0  }
0x16: {  	s3 =	sld [smem:$0x3FDB];
	s0 =	simm.s32 @p2 $0x1  }
0x17: {  	s4 =	simm.s32 $0x1BF5;
	[smem:$0x3FBC] =	sst s0  }
0x18: {  	s0 =	sld [smem:$0x3F9F];
	_ =	swait.ge [sflag:s4], $0x0  }
0x19: {  	s7 =	sld [smem:$0x3FA0]  }
0x1a: {  	s8 =	sadd.s32 $0xFFFFE003, lr  }
0x1b: {  	s9 =	sadd.s32 $0xFFFFFEF7, lr;
	s5 =	simm.s32 $0xFFFFFFFF;
	p2 =	slt.u32 s8, $0xFFFFF086  }
0x1c: {  	p1 =	slt.u32 s9, $0xF7A;
	s5 =	simm.s32 @!p2 $0x0  }
0x1d: {  	s5 =	simm.s32 @p1 $0x1;
	p0 =	seq.s32 s7, s2  }
0x1e: {  	s7 =	smul.u32 @!p0 $0xF7A, s2;
	p2 =	seq.s32 @!p0 s5, $0x0  }
0x1f: {  	s9 =	smul.u32 $0xF7A, s1;
	s8 =	simm.s32 @!p0 $0x1BF5;
	p2 =	por !p2, p0  }
0x20: {  	[sflag:s8] =	ssyncset.s32 @!p0 $0xFFFFF086;
	s6 =	sadd.s32 @!p0 s3, s7;
	s7 =	simm.s32 @!p0 $0x108  }
0x21: {  	s3 =	sadd.s32 s3, s9;
	s6 =	sadd.s32 @!p0 $0x88, s6;
	s7 =	simm.s32 @p2 $0x1082  }
0x22: {  	[simem:s7], [sflag:s8] =	dma.local @!p0 [hbm:s6], $0xF7A  }
0x23: {  	s9 =	sor.u32 $0xD0000000, s2;
	s6 =	simm.s32 $0x108;
	_ =	swait.ge @!p0 [sflag:s8], $0x0  }
0x24: {  	s3 =	sadd.s32 $0x88, s3;
	s6 =	simm.s32 @!p1 $0x1082;
	[sflag:s4] =	ssyncset.s32 $0xFFFFF086  }
0x25: {  	[simem:s6], [sflag:s4] =	dma.local [hbm:s3], $0xF7A  }
0x26: {  	[smem:$0x3FA0] =	sst s1;
	(tag) =	ssettag s2;
	_ =	strace s9  }
0x27: {  	s1 =	sld [smem:$0x3FB0]  }
0x28: {  	s2 =	sld [smem:$0x3FB1]  }
0x29: {  	s4 =	sld [smem:$0x3FB3]  }
0x2a: {  	p0 =	seq.s32 s5, $0x0;
	s5 =	sld [smem:$0x3FB4]  }
0x2b: {  	s6 =	sld [smem:$0x3FB5]  }
0x2c: {  	s7 =	sld [smem:$0x3FB6]  }
0x2d: {  	s3 =	simm.s32 $0x108;
	s8 =	sld [smem:$0x3FB7]  }
0x2e: {  	s3 =	simm.s32 @!p0 $0x1082;
	s9 =	sld [smem:$0x3FB8]  }
0x2f: {  	lr =	sadd.s32 s0, s3;
	s0 =	sld [smem:$0x3FAF]  }
0x30: {  	s3 =	sld [smem:$0x3FB2]  }
0x31: {  	[smem:$0x3FBB] =	sst s10  }
0x32: {  	s10 =	sld [smem:$0x3FB9];
	_ =	sdelay $0x3  }
0x33: {  	p0 =	seq.s32 s10, $0x1;
	s10 =	sld [smem:$0x3FBB];
	_ =	sdelay $0x3  }
0x34: {  	[smem:$0x3FBB] =	sst s10  }
0x35: {  	s10 =	sld [smem:$0x3FBA];
	_ =	sdelay $0x3  }
0x36: {  	p1 =	seq.s32 s10, $0x1;
	s10 =	sld [smem:$0x3FBB];
	_ =	sdelay $0x3  }
0x37: {  	[smem:$0x3FBB] =	sst s10  }
0x38: {  	s10 =	sld [smem:$0x3FBC]  }
0x39: {  	_ = 	snop;
	(pc) =	sbr.ind lr, $3  }
0x3a: {  	_ = 	snop  }
0x3b: {  	_ = 	snop  }
0x3c: {  	p2 =	seq.s32 s10, $0x1;
	s10 =	sld [smem:$0x3FBB]  }
0x3d: {  	_ =	shalt  }
0x3e: {  	_ =	shalt  }
0x3f: {  	_ =	shalt  }
0x40: {  	_ =	shalt  }
0x41: {  	_ =	shalt  }
0x42: {  	_ =	shalt  }
0x43: {  	_ =	shalt  }
0x44: {  	_ =	shalt  }
0x45: {  	_ =	shalt  }
0x46: {  	_ =	shalt  }
0x47: {  	_ =	shalt  }
0x48: {  	_ =	shalt  }
0x49: {  	_ =	shalt  }
0x4a: {  	_ =	shalt  }
0x4b: {  	_ =	shalt  }
0x4c: {  	_ =	shalt  }
0x4d: {  	_ =	shalt  }
0x4e: {  	_ =	shalt  }
0x4f: {  	_ =	shalt  }
0x50: {  	_ =	shalt  }
0x51: {  	_ =	shalt  }
0x52: {  	_ =	shalt  }
0x53: {  	_ =	shalt  }
0x54: {  	_ =	shalt  }
0x55: {  	_ =	shalt  }
0x56: {  	_ =	shalt  }
0x57: {  	_ =	shalt  }
0x58: {  	_ =	shalt  }
0x59: {  	_ =	shalt  }
0x5a: {  	_ =	shalt  }
0x5b: {  	_ =	shalt  }
0x5c: {  	_ =	shalt  }
0x5d: {  	_ =	shalt  }
0x5e: {  	_ =	shalt  }
0x5f: {  	_ =	shalt  }
0x60: {  	_ =	shalt  }
0x61: {  	_ =	shalt  }
0x62: {  	_ =	shalt  }
0x63: {  	_ =	shalt  }
0x64: {  	_ =	shalt  }
0x65: {  	_ =	shalt  }
0x66: {  	_ =	shalt  }
0x67: {  	_ =	shalt  }
0x68: {  	_ =	shalt  }
0x69: {  	_ =	shalt  }
0x6a: {  	_ =	shalt  }
0x6b: {  	_ =	shalt  }
0x6c: {  	_ =	shalt  }
0x6d: {  	_ =	shalt  }
0x6e: {  	_ =	shalt  }
0x6f: {  	_ =	shalt  }
0x70: {  	_ =	shalt  }
0x71: {  	_ =	shalt  }
0x72: {  	_ =	shalt  }
0x73: {  	_ =	shalt  }
0x74: {  	_ =	shalt  }
0x75: {  	_ =	shalt  }
0x76: {  	_ =	shalt  }
0x77: {  	_ =	shalt  }
0x78: {  	_ =	shalt  }
0x79: {  	_ =	shalt  }
0x7a: {  	_ =	shalt  }
0x7b: {  	_ =	shalt  }
0x7c: {  	_ =	shalt  }
0x7d: {  	_ =	shalt  }
0x7e: {  	_ =	shalt  }
0x7f: {  	_ =	shalt  }
0x80: {  	_ =	shalt  }
0x81: {  	_ =	shalt  }
0x82: {  	_ =	shalt  }
0x83: {  	_ =	shalt  }
0x84: {  	_ =	shalt  }
0x85: {  	_ =	shalt  }
0x86: {  	_ =	shalt  }
0x87: {  	_ =	shalt  }
.Lfunc_end0:
.L_simem_size_0:
called_computation_lowered:
.L_overlay_start_0:
0x88: {  	s2 =	sld [smem:$0x3FD9]  }
0x89: {  	s3 =	sld [smem:$0x3FFE];
	_ =	sdelay $0x1  }
0x8a: {  	s1 =	srdreg.scid  }
0x8b: {  	s0 =	sand.u32 $0x1, s1  }
0x8c: {  	s18 =	sshll.u32 s0, $0xA;
	s2 =	sadd.s32 s3, s2  }
0x8d: {  	s2 =	sadd.s32 s2, s18  }
0x8e: {  	[smem:$0x3FC7] =	sst s2  }
0x8f: {  	_ = 	snop  }
0x90: {  	s2 =	sld [smem:$0x3FC9]  }
0x91: {  	s19 =	sld [smem:$0x3FD0];
	(tm) =	ssettm $0x1  }
0x92: {  	s4 =	sld [smem:$0x3FFB];
	_ =	sdelay $0x3  }
0x93: {  	_ =	strace s4  }
0x94: {  	s4 =	sld [smem:$0x3FFC];
	_ =	sdelay $0x3  }
0x95: {  	_ =	strace s4  }
0x96: {  	s4 =	sld [smem:$0x3FFD];
	_ =	sdelay $0x3  }
0x97: {  	_ =	strace s4  }
0x98: {  	_ =	strace $0x8FFFFFFF  }
0x99: {  	s20 =	sld [smem:$0x3FDB];
	_ =	sdelay $0x1  }
0x9a: {  	s5 =	simm.s32 $_scs_section_size  }
0x9b: {  	s6 =	simm.s32 $_size__tile_overlayer_lowered;
	s7 =	simm.s32 $_tile_overlayer_lowered  }
0x9c: {  	s23 =	simm.s32 $0x1BFF;
	s22 =	sshll.u32 s7, $0x1;
	s4 =	sadd.s32 s5, s20  }
0x9d: {  	s8 =	simm.s32 $0x0;
	s21 =	sshll.u32 s6, $0x1;
	s6 =	sadd.s32 s22, s4  }
0x9e: {  	[timem:s8], [sflag:s23] =	dma.local [hbm:s6], s21  }
0x9f: {  	_ =	swait.ge [sflag:s23], s21  }
0xa0: {  	s5 =	ssub.s32 $0x0, s21;
	[sflag:s23] =	ssyncset.done $0x0  }
0xa1: {  	[sflag:s23] =	ssyncadd.s32 s5;
	_ =	sdelay $0x1  }
0xa2: {  	s24 =	simm.s32 $0x1B8B  }
0xa3: {  	_ =	swait.ge [sflag:s24], $0x1  }
0xa4: {  	[sflag:s24] =	ssyncset.done $0x0  }
0xa5: {  	s25 =	simm.s32 $0x1B8E;
	[sflag:s24] =	ssyncadd.s32 $0xFFFFFFFF  }
0xa6: {  	s26 =	simm.s32 $execute0_lowered;
	[smem:$0x3FD2] =	sst s25  }
0xa7: {  	s5 =	sshll.u32 s26, $0x1;
	_ =	strace $0x80000046;
	[dreg:$0x1] =	wrdreg $0xFFFFFFFF  }
0xa8: {  	s28 =	simm.s32 $_size_execute0_lowered;
	s4 =	sadd.s32 s4, s5;
	[dreg:$0x0] =	wrdreg $0x0  }
0xa9: {  	s5 =	sshll.u32 s28, $0x1;
	[dreg:$0x2] =	wrdreg s4  }
0xaa: {  	[dreg:$0x3] =	wrdreg s5  }
0xab: {  	[dreg:$0x4] =	wrdreg $0xC0  }
0xac: {  	_ =	task [dreg:s8], $0x5FFFF  }
0xad: {  	[dreg:$0x1] =	wrdreg $0xFFFFFFFF  }
0xae: {  	[dreg:$0x0] =	wrdreg $0x60  }
0xaf: {  	[dreg:$0x2] =	wrdreg s2  }
0xb0: {  	[dreg:$0x3] =	wrdreg s19  }
0xb1: {  	[dreg:$0x4] =	wrdreg $0x9  }
0xb2: {  	_ =	task.clear_ibuf [dreg:s8], $0x5FFFF;
	_ =	strace $0x90000046  }
0xb3: {  	s29 =	simm.s32 $0x9;
	_ =	strace $0x80000048  }
0xb4: {  	_ =	swait.ge [sflag:s29], $0x1  }
0xb5: {  	[sflag:s29] =	ssyncadd.s32 $0xFFFFFFFF  }
0xb6: {  	_ =	strace $0x90000048  }
0xb7: {  	_ =	sfence  }
0xb8: {  	s30 =	sld [smem:$0x0];
	_ =	sdelay $0x2  }
0xb9: {  	s31 =	sshll.u32 s1, $0xD;
	s1 =	sshrl.u32 s1, $0x2  }
0xba: {  	s3 =	sand.u32 $0x4000, s31;
	s1 =	sadd.s32 s1, s30  }
0xbb: {  	s0 =	sor.u32 s3, s0;
	s1 =	sshll.u32 s1, $0x11  }
0xbc: {  	s0 =	sor.u32 s1, s0  }
0xbd: {  	s0 =	sadd.s32 $0x8F2B, s0  }
0xbe: {  	[sflag:s0] =	ssyncadd.remote.s32 $0x1  }
0xbf: {  	_ =	sfence.sel $0xFFFF  }
0xc0: {  	[dreg:$0x0] =	wrdreg $0xFFFFFFFF;
	(pc) =	sbr.abs _section_cstart, $3  }
0xc1: {  	[dreg:$0x1] =	wrdreg $0xFFFFFFFF  }
0xc2: {  	_ =	task.clear_ibuf [dreg:s8], $0x2FFFF;
	_ =	strace $0x9FFFFFFF  }
0xc3: {  	(tm) =	ssettm $0x7FFFFFFF  }
tec
execute0_lowered:
.L_overlay_start_1:
0x0: {  	(tag) =	ssettag $0x1  }
0x1: {  	s0 =	rddreg [dreg:$0x0]  }
0x2: {  	s1 =	rddreg [dreg:$0x1]  }
0x3: {  	s2 =	simm.s32 $0x0;
	s3 =	srdreg.scid;
	s5 =	stileid.u32  }
0x4: {  	p0 =	por $0x0, $0x0;
	[smem:$0x7FF] =	sst s2;
	s3 =	sand.u32 $0x1, s3  }
0x5: {  	s5 =	sshll.u32 s5, $0x10;
	s4 =	ssub.s32 $0x2, s3;
	s3 =	sshll.u32 s3, $0xF  }
0x6: {  	_ =	strace $0x80000047;
	s6 =	sshrl.u32 s4, $0x1;
	s3 =	sor.u32 s3, s5  }
0x7: {  	s4 =	ssub.s32 s4, s6;
	s5 =	sadd.s32 s0, s3;
	s12 =	sor.u32 $0x1C00, s3  }
0x8: {  	s28 =	sadd.s32 s1, s3;
	s14 =	sor.u32 $0x3800, s3;
	s15 =	sor.u32 $0x5400, s3  }
0x9: {  	s3 =	sor.u32 $0x7000, s3;
	[dreg:$0x3] =	wrdreg s5;
	s13 =	sadd.s32 s0, s12  }
0xa: {  	s29 =	sadd.s32 $0x100000, s28;
	s30 =	sadd.s32 $0x200000, s28;
	s31 =	sadd.s32 $0x300000, s28  }
0xb: {  	s26 =	sadd.s32 s0, s14;
	s22 =	sadd.s32 s1, s12;
	s23 =	sadd.s32 $0x101C00, s28  }
0xc: {  	s24 =	sadd.s32 $0x201C00, s28;
	s25 =	sadd.s32 $0x301C00, s28;
	s21 =	sadd.s32 s0, s15  }
0xd: {  	s16 =	sadd.s32 s1, s14;
	s17 =	sadd.s32 $0x103800, s28;
	s18 =	sadd.s32 $0x203800, s28  }
0xe: {  	s19 =	sadd.s32 $0x303800, s28;
	s8 =	sadd.s32 s1, s15;
	s20 =	smax.u32 s4, $0x1  }
0xf: {  	s9 =	sadd.s32 $0x105400, s28;
	s10 =	sadd.s32 $0x205400, s28;
	p1 =	sne.s32 s20, $0x1  }
.Ltmp0:
0x10: {  	s11 =	sadd.s32 $0x305400, s28;
	s5 =	sadd.s32 s1, s3;
	(pc) =	sbr.rel @!p1 .LBB2_3-.Ltmp0, $4  }
0x11: {  	s6 =	sadd.s32 $0x107000, s28;
	s7 =	sadd.s32 $0x207000, s28;
	s12 =	sadd.s32 $0x307000, s28  }
0x12: {  	s15 =	simm.s32 $0xE000;
	s14 =	simm.s32 $0x1;
	s4 =	simm.s32 $0x4  }
0x13: {  	[dreg:$0x4] =	wrdreg s13;
	s13 =	sadd.s32 s0, s3;
	s0 =	sadd.s32 $0xFFFFFFFF, s20  }
0x14: {  	s3 =	simm.s32 $0x3;
	s20 =	simm.s32 $0x2;
	s1 =	rddreg [dreg:$0x3]  }
0x15: {  	[dreg:$0x5] =	wrdreg s0  }
0x16: {  	[tilespmem:s2], [sflag:$0x1] =	stream.linear.gather [hbm4b:s1+s2], $0xE000, $0x38;
	[tilespmem:$0x1C000] =	vst v63  }
0x17: {  	s0 =	rddreg [dreg:$0x4]  }
0x18: {  	[tilespmem:s15], [sflag:$0x2] =	stream.linear.gather [hbm4b:s0+s2], $0xE000, $0x38;
	[tilespmem:$0x1C000] =	vst v63  }
0x19: {  	_ =	swait.ge [sflag:s14], $0xE000  }
0x1a: {  	[sflag:s14] =	ssyncset.done $0x0  }
0x1b: {  	[sflag:s14] =	ssyncadd.s32 $0xFFFF2000  }
0x1c: {  	[hbm4b:s28+s2] =	stream.linear.scatter [tilespmem:s2], [sflag:$0x3], $0xE000, $0x38;
	[tilespmem:$0x1C000] =	vst v63  }
0x1d: {  	_ = 	snop  }
0x1e: {  	[hbm4b:s29+s2] =	stream.linear.scatter [tilespmem:s2], [sflag:$0x3], $0xE000, $0x38;
	[tilespmem:$0x1C000] =	vst v63  }
0x1f: {  	_ = 	snop  }
0x20: {  	[hbm4b:s30+s2] =	stream.linear.scatter [tilespmem:s2], [sflag:$0x3], $0xE000, $0x38;
	[tilespmem:$0x1C000] =	vst v63  }
0x21: {  	_ = 	snop  }
0x22: {  	[hbm4b:s31+s2] =	stream.linear.scatter [tilespmem:s2], [sflag:$0x3], $0xE000, $0x38;
	[tilespmem:$0x1C000] =	vst v63  }
0x23: {  	_ =	swait.ge [sflag:s3], $0xE000  }
0x24: {  	[sflag:s3] =	ssyncset.done $0x0  }
0x25: {  	[sflag:s3] =	ssyncadd.s32 $0xFFFF2000  }
0x26: {  	_ =	swait.ge [sflag:s3], $0xE000  }
0x27: {  	[sflag:s3] =	ssyncset.done $0x0  }
0x28: {  	[sflag:s3] =	ssyncadd.s32 $0xFFFF2000  }
0x29: {  	_ =	swait.ge [sflag:s3], $0xE000  }
0x2a: {  	[sflag:s3] =	ssyncset.done $0x0  }
0x2b: {  	[sflag:s3] =	ssyncadd.s32 $0xFFFF2000  }
0x2c: {  	_ =	swait.ge [sflag:s3], $0xE000  }
0x2d: {  	[sflag:s3] =	ssyncset.done $0x0  }
0x2e: {  	[sflag:s3] =	ssyncadd.s32 $0xFFFF2000  }
0x2f: {  	[tilespmem:s2], [sflag:$0x1] =	stream.linear.gather [hbm4b:s26+s2], $0xE000, $0x38;
	[tilespmem:$0x1C000] =	vst v63  }
0x30: {  	_ =	swait.ge [sflag:s20], $0xE000  }
0x31: {  	[sflag:s20] =	ssyncset.done $0x0  }
0x32: {  	[sflag:s20] =	ssyncadd.s32 $0xFFFF2000  }
0x33: {  	[hbm4b:s22+s2] =	stream.linear.scatter [tilespmem:s15], [sflag:$0x4], $0xE000, $0x38;
	[tilespmem:$0x1C000] =	vst v63  }
0x34: {  	_ = 	snop  }
0x35: {  	[hbm4b:s23+s2] =	stream.linear.scatter [tilespmem:s15], [sflag:$0x4], $0xE000, $0x38;
	[tilespmem:$0x1C000] =	vst v63  }
0x36: {  	_ = 	snop  }
0x37: {  	[hbm4b:s24+s2] =	stream.linear.scatter [tilespmem:s15], [sflag:$0x4], $0xE000, $0x38;
	[tilespmem:$0x1C000] =	vst v63  }
0x38: {  	_ = 	snop  }
0x39: {  	[hbm4b:s25+s2] =	stream.linear.scatter [tilespmem:s15], [sflag:$0x4], $0xE000, $0x38;
	[tilespmem:$0x1C000] =	vst v63  }
0x3a: {  	_ =	swait.ge [sflag:s4], $0xE000  }
0x3b: {  	[sflag:s4] =	ssyncset.done $0x0  }
0x3c: {  	[sflag:s4] =	ssyncadd.s32 $0xFFFF2000  }
0x3d: {  	_ =	swait.ge [sflag:s4], $0xE000  }
0x3e: {  	[sflag:s4] =	ssyncset.done $0x0  }
0x3f: {  	[sflag:s4] =	ssyncadd.s32 $0xFFFF2000  }
0x40: {  	_ =	swait.ge [sflag:s4], $0xE000  }
0x41: {  	[sflag:s4] =	ssyncset.done $0x0  }
0x42: {  	[sflag:s4] =	ssyncadd.s32 $0xFFFF2000  }
0x43: {  	_ =	swait.ge [sflag:s4], $0xE000  }
0x44: {  	[sflag:s4] =	ssyncset.done $0x0  }
0x45: {  	[sflag:s4] =	ssyncadd.s32 $0xFFFF2000  }
0x46: {  	[tilespmem:s15], [sflag:$0x2] =	stream.linear.gather [hbm4b:s21+s2], $0xE000, $0x38;
	[tilespmem:$0x1C000] =	vst v63  }
0x47: {  	_ =	swait.ge [sflag:s14], $0xE000  }
0x48: {  	[sflag:s14] =	ssyncset.done $0x0  }
0x49: {  	[sflag:s14] =	ssyncadd.s32 $0xFFFF2000  }
0x4a: {  	[hbm4b:s16+s2] =	stream.linear.scatter [tilespmem:s2], [sflag:$0x3], $0xE000, $0x38;
	[tilespmem:$0x1C000] =	vst v63  }
0x4b: {  	_ = 	snop  }
0x4c: {  	[hbm4b:s17+s2] =	stream.linear.scatter [tilespmem:s2], [sflag:$0x3], $0xE000, $0x38;
	[tilespmem:$0x1C000] =	vst v63  }
0x4d: {  	_ = 	snop  }
0x4e: {  	[hbm4b:s18+s2] =	stream.linear.scatter [tilespmem:s2], [sflag:$0x3], $0xE000, $0x38;
	[tilespmem:$0x1C000] =	vst v63  }
0x4f: {  	_ = 	snop  }
0x50: {  	[hbm4b:s19+s2] =	stream.linear.scatter [tilespmem:s2], [sflag:$0x3], $0xE000, $0x38;
	[tilespmem:$0x1C000] =	vst v63  }
0x51: {  	_ =	swait.ge [sflag:s3], $0xE000  }
0x52: {  	[sflag:s3] =	ssyncset.done $0x0  }
0x53: {  	[sflag:s3] =	ssyncadd.s32 $0xFFFF2000  }
0x54: {  	_ =	swait.ge [sflag:s3], $0xE000  }
0x55: {  	[sflag:s3] =	ssyncset.done $0x0  }
0x56: {  	[sflag:s3] =	ssyncadd.s32 $0xFFFF2000  }
0x57: {  	_ =	swait.ge [sflag:s3], $0xE000  }
0x58: {  	[sflag:s3] =	ssyncset.done $0x0  }
0x59: {  	[sflag:s3] =	ssyncadd.s32 $0xFFFF2000  }
0x5a: {  	_ =	swait.ge [sflag:s3], $0xE000  }
0x5b: {  	[sflag:s3] =	ssyncset.done $0x0  }
0x5c: {  	[sflag:s3] =	ssyncadd.s32 $0xFFFF2000  }
0x5d: {  	[tilespmem:s2], [sflag:$0x1] =	stream.linear.gather [hbm4b:s13+s2], $0x8000, $0x38;
	[tilespmem:$0x1C000] =	vst v63  }
0x5e: {  	_ =	swait.ge [sflag:s20], $0xE000  }
0x5f: {  	[sflag:s20] =	ssyncset.done $0x0  }
0x60: {  	[sflag:s20] =	ssyncadd.s32 $0xFFFF2000  }
0x61: {  	[hbm4b:s8+s2] =	stream.linear.scatter [tilespmem:s15], [sflag:$0x4], $0xE000, $0x38;
	[tilespmem:$0x1C000] =	vst v63  }
0x62: {  	_ = 	snop  }
0x63: {  	[hbm4b:s9+s2] =	stream.linear.scatter [tilespmem:s15], [sflag:$0x4], $0xE000, $0x38;
	[tilespmem:$0x1C000] =	vst v63  }
0x64: {  	_ = 	snop  }
0x65: {  	[hbm4b:s10+s2] =	stream.linear.scatter [tilespmem:s15], [sflag:$0x4], $0xE000, $0x38;
	[tilespmem:$0x1C000] =	vst v63  }
0x66: {  	_ = 	snop  }
0x67: {  	[hbm4b:s11+s2] =	stream.linear.scatter [tilespmem:s15], [sflag:$0x4], $0xE000, $0x38;
	[tilespmem:$0x1C000] =	vst v63  }
0x68: {  	_ =	swait.ge [sflag:s14], $0x8000  }
0x69: {  	[sflag:s14] =	ssyncset.done $0x0  }
0x6a: {  	[sflag:s14] =	ssyncadd.s32 $0xFFFF8000  }
0x6b: {  	[hbm4b:s5+s2] =	stream.linear.scatter [tilespmem:s2], [sflag:$0x3], $0x8000, $0x38;
	[tilespmem:$0x1C000] =	vst v63  }
0x6c: {  	_ = 	snop  }
0x6d: {  	[hbm4b:s6+s2] =	stream.linear.scatter [tilespmem:s2], [sflag:$0x3], $0x8000, $0x38;
	[tilespmem:$0x1C000] =	vst v63  }
0x6e: {  	_ = 	snop  }
0x6f: {  	[hbm4b:s7+s2] =	stream.linear.scatter [tilespmem:s2], [sflag:$0x3], $0x8000, $0x38;
	[tilespmem:$0x1C000] =	vst v63  }
0x70: {  	_ = 	snop  }
0x71: {  	[hbm4b:s12+s2] =	stream.linear.scatter [tilespmem:s2], [sflag:$0x3], $0x8000, $0x38;
	[tilespmem:$0x1C000] =	vst v63  }
0x72: {  	_ =	swait.ge [sflag:s4], $0xE000  }
0x73: {  	[sflag:s4] =	ssyncset.done $0x0  }
0x74: {  	[sflag:s4] =	ssyncadd.s32 $0xFFFF2000  }
0x75: {  	_ =	swait.ge [sflag:s4], $0xE000  }
0x76: {  	[sflag:s4] =	ssyncset.done $0x0  }
0x77: {  	[sflag:s4] =	ssyncadd.s32 $0xFFFF2000  }
0x78: {  	_ =	swait.ge [sflag:s4], $0xE000  }
0x79: {  	[sflag:s4] =	ssyncset.done $0x0  }
0x7a: {  	[sflag:s4] =	ssyncadd.s32 $0xFFFF2000  }
0x7b: {  	_ =	swait.ge [sflag:s4], $0xE000  }
0x7c: {  	[sflag:s4] =	ssyncset.done $0x0  }
0x7d: {  	[sflag:s4] =	ssyncadd.s32 $0xFFFF2000  }
0x7e: {  	_ =	swait.ge [sflag:s3], $0x8000  }
0x7f: {  	[sflag:s3] =	ssyncset.done $0x0  }
0x80: {  	[sflag:s3] =	ssyncadd.s32 $0xFFFF8000  }
0x81: {  	_ =	swait.ge [sflag:s3], $0x8000  }
0x82: {  	[sflag:s3] =	ssyncset.done $0x0  }
0x83: {  	[sflag:s3] =	ssyncadd.s32 $0xFFFF8000  }
0x84: {  	_ =	swait.ge [sflag:s3], $0x8000  }
0x85: {  	s1 =	rddreg [dreg:$0x5]  }
0x86: {  	p1 =	sne.s32 s1, $0x1  }
.Ltmp1:
0x87: {  	_ = 	snop;
	(pc) =	sbr.rel @!p1 .LBB2_3-.Ltmp1, $4  }
0x88: {  	[sflag:s3] =	ssyncset.done $0x0  }
0x89: {  	[sflag:s3] =	ssyncadd.s32 $0xFFFF8000  }
0x8a: {  	p0 =	por $0x1, $0x1;
	_ =	swait.ge [sflag:s3], $0x8000  }
0x8b: {  	s0 =	sadd.s32 $0xFFFFFFFF, s1;
	s1 =	rddreg [dreg:$0x3];
	[sflag:s3] =	ssyncset.done $0x0  }
.LBB2_2:
0x8c: {  	[sflag:s3] =	ssyncadd.s32 $0xFFFF8000  }
0x8d: {  	s20 =	smov.u32 s28;
	s28 =	smov.u32 s31;
	s31 =	smov.u32 s30  }
0x8e: {  	s30 =	smov.u32 s29;
	s29 =	smov.u32 s26;
	s26 =	smov.u32 s25  }
0x8f: {  	s25 =	smov.u32 s24;
	s24 =	smov.u32 s23;
	s23 =	smov.u32 s22  }
0x90: {  	s22 =	smov.u32 s21;
	s21 =	smov.u32 s19;
	s19 =	smov.u32 s18  }
0x91: {  	s18 =	smov.u32 s17;
	s17 =	smov.u32 s16;
	s16 =	smov.u32 s13  }
0x92: {  	s13 =	smov.u32 s12;
	s12 =	smov.u32 s11;
	s11 =	smov.u32 s10  }
0x93: {  	s10 =	smov.u32 s9;
	s9 =	smov.u32 s8;
	s8 =	smov.u32 s7  }
0x94: {  	[tilespmem:s2], [sflag:$0x1] =	stream.linear.gather [hbm4b:s1+s2], $0xE000, $0x38;
	[tilespmem:$0x1C000] =	vst v63  }
0x95: {  	s7 =	smov.u32 s6;
	s6 =	smov.u32 s5;
	s5 =	rddreg [dreg:$0x4]  }
0x96: {  	[tilespmem:s15], [sflag:$0x2] =	stream.linear.gather [hbm4b:s5+s2], $0xE000, $0x38;
	[tilespmem:$0x1C000] =	vst v63  }
0x97: {  	s5 =	smov.u32 s6;
	s6 =	smov.u32 s7  }
0x98: {  	s7 =	smov.u32 s8;
	s8 =	smov.u32 s9;
	s9 =	smov.u32 s10  }
0x99: {  	s10 =	smov.u32 s11;
	s11 =	smov.u32 s12;
	s12 =	smov.u32 s13  }
0x9a: {  	s13 =	smov.u32 s16;
	s16 =	smov.u32 s17;
	s17 =	smov.u32 s18  }
0x9b: {  	s18 =	smov.u32 s19;
	s19 =	smov.u32 s21;
	s21 =	smov.u32 s22  }
0x9c: {  	s22 =	smov.u32 s23;
	s23 =	smov.u32 s24;
	s24 =	smov.u32 s25  }
0x9d: {  	s25 =	smov.u32 s26;
	s26 =	smov.u32 s29;
	_ =	swait.ge [sflag:s14], $0xE000  }
0x9e: {  	s29 =	smov.u32 s30;
	s30 =	smov.u32 s31;
	[sflag:s14] =	ssyncset.done $0x0  }
0x9f: {  	s31 =	smov.u32 s28;
	s28 =	smov.u32 s20;
	[sflag:s14] =	ssyncadd.s32 $0xFFFF2000  }
0xa0: {  	[hbm4b:s28+s2] =	stream.linear.scatter [tilespmem:s2], [sflag:$0x3], $0xE000, $0x38;
	[tilespmem:$0x1C000] =	vst v63  }
0xa1: {  	_ = 	snop  }
0xa2: {  	[hbm4b:s29+s2] =	stream.linear.scatter [tilespmem:s2], [sflag:$0x3], $0xE000, $0x38;
	[tilespmem:$0x1C000] =	vst v63  }
0xa3: {  	_ = 	snop  }
0xa4: {  	[hbm4b:s30+s2] =	stream.linear.scatter [tilespmem:s2], [sflag:$0x3], $0xE000, $0x38;
	[tilespmem:$0x1C000] =	vst v63  }
0xa5: {  	_ = 	snop  }
0xa6: {  	[hbm4b:s31+s2] =	stream.linear.scatter [tilespmem:s2], [sflag:$0x3], $0xE000, $0x38;
	[tilespmem:$0x1C000] =	vst v63  }
0xa7: {  	_ =	swait.ge [sflag:s3], $0xE000  }
0xa8: {  	[sflag:s3] =	ssyncset.done $0x0  }
0xa9: {  	[sflag:s3] =	ssyncadd.s32 $0xFFFF2000  }
0xaa: {  	_ =	swait.ge [sflag:s3], $0xE000  }
0xab: {  	[sflag:s3] =	ssyncset.done $0x0  }
0xac: {  	[sflag:s3] =	ssyncadd.s32 $0xFFFF2000  }
0xad: {  	_ =	swait.ge [sflag:s3], $0xE000  }
0xae: {  	[sflag:s3] =	ssyncset.done $0x0  }
0xaf: {  	[sflag:s3] =	ssyncadd.s32 $0xFFFF2000  }
0xb0: {  	_ =	swait.ge [sflag:s3], $0xE000  }
0xb1: {  	[sflag:s3] =	ssyncset.done $0x0  }
0xb2: {  	s20 =	simm.s32 $0x2;
	[sflag:s3] =	ssyncadd.s32 $0xFFFF2000  }
0xb3: {  	[tilespmem:s2], [sflag:$0x1] =	stream.linear.gather [hbm4b:s26+s2], $0xE000, $0x38;
	[tilespmem:$0x1C000] =	vst v63  }
0xb4: {  	_ =	swait.ge [sflag:s20], $0xE000  }
0xb5: {  	[sflag:s20] =	ssyncset.done $0x0  }
0xb6: {  	[sflag:s20] =	ssyncadd.s32 $0xFFFF2000  }
0xb7: {  	[hbm4b:s22+s2] =	stream.linear.scatter [tilespmem:s15], [sflag:$0x4], $0xE000, $0x38;
	[tilespmem:$0x1C000] =	vst v63  }
0xb8: {  	_ = 	snop  }
0xb9: {  	[hbm4b:s23+s2] =	stream.linear.scatter [tilespmem:s15], [sflag:$0x4], $0xE000, $0x38;
	[tilespmem:$0x1C000] =	vst v63  }
0xba: {  	_ = 	snop  }
0xbb: {  	[hbm4b:s24+s2] =	stream.linear.scatter [tilespmem:s15], [sflag:$0x4], $0xE000, $0x38;
	[tilespmem:$0x1C000] =	vst v63  }
0xbc: {  	_ = 	snop  }
0xbd: {  	[hbm4b:s25+s2] =	stream.linear.scatter [tilespmem:s15], [sflag:$0x4], $0xE000, $0x38;
	[tilespmem:$0x1C000] =	vst v63  }
0xbe: {  	_ =	swait.ge [sflag:s4], $0xE000  }
0xbf: {  	[sflag:s4] =	ssyncset.done $0x0  }
0xc0: {  	[sflag:s4] =	ssyncadd.s32 $0xFFFF2000  }
0xc1: {  	_ =	swait.ge [sflag:s4], $0xE000  }
0xc2: {  	[sflag:s4] =	ssyncset.done $0x0  }
0xc3: {  	[sflag:s4] =	ssyncadd.s32 $0xFFFF2000  }
0xc4: {  	_ =	swait.ge [sflag:s4], $0xE000  }
0xc5: {  	[sflag:s4] =	ssyncset.done $0x0  }
0xc6: {  	[sflag:s4] =	ssyncadd.s32 $0xFFFF2000  }
0xc7: {  	_ =	swait.ge [sflag:s4], $0xE000  }
0xc8: {  	[sflag:s4] =	ssyncset.done $0x0  }
0xc9: {  	[sflag:s4] =	ssyncadd.s32 $0xFFFF2000  }
0xca: {  	[tilespmem:s15], [sflag:$0x2] =	stream.linear.gather [hbm4b:s21+s2], $0xE000, $0x38;
	[tilespmem:$0x1C000] =	vst v63  }
0xcb: {  	_ =	swait.ge [sflag:s14], $0xE000  }
0xcc: {  	[sflag:s14] =	ssyncset.done $0x0  }
0xcd: {  	[sflag:s14] =	ssyncadd.s32 $0xFFFF2000  }
0xce: {  	[hbm4b:s16+s2] =	stream.linear.scatter [tilespmem:s2], [sflag:$0x3], $0xE000, $0x38;
	[tilespmem:$0x1C000] =	vst v63  }
0xcf: {  	_ = 	snop  }
0xd0: {  	[hbm4b:s17+s2] =	stream.linear.scatter [tilespmem:s2], [sflag:$0x3], $0xE000, $0x38;
	[tilespmem:$0x1C000] =	vst v63  }
0xd1: {  	_ = 	snop  }
0xd2: {  	[hbm4b:s18+s2] =	stream.linear.scatter [tilespmem:s2], [sflag:$0x3], $0xE000, $0x38;
	[tilespmem:$0x1C000] =	vst v63  }
0xd3: {  	_ = 	snop  }
0xd4: {  	[hbm4b:s19+s2] =	stream.linear.scatter [tilespmem:s2], [sflag:$0x3], $0xE000, $0x38;
	[tilespmem:$0x1C000] =	vst v63  }
0xd5: {  	_ =	swait.ge [sflag:s3], $0xE000  }
0xd6: {  	[sflag:s3] =	ssyncset.done $0x0  }
0xd7: {  	[sflag:s3] =	ssyncadd.s32 $0xFFFF2000  }
0xd8: {  	_ =	swait.ge [sflag:s3], $0xE000  }
0xd9: {  	[sflag:s3] =	ssyncset.done $0x0  }
0xda: {  	[sflag:s3] =	ssyncadd.s32 $0xFFFF2000  }
0xdb: {  	_ =	swait.ge [sflag:s3], $0xE000  }
0xdc: {  	[sflag:s3] =	ssyncset.done $0x0  }
0xdd: {  	[sflag:s3] =	ssyncadd.s32 $0xFFFF2000  }
0xde: {  	_ =	swait.ge [sflag:s3], $0xE000  }
0xdf: {  	[sflag:s3] =	ssyncset.done $0x0  }
0xe0: {  	[sflag:s3] =	ssyncadd.s32 $0xFFFF2000  }
0xe1: {  	[tilespmem:s2], [sflag:$0x1] =	stream.linear.gather [hbm4b:s13+s2], $0x8000, $0x38;
	[tilespmem:$0x1C000] =	vst v63  }
0xe2: {  	_ =	swait.ge [sflag:s20], $0xE000  }
0xe3: {  	[sflag:s20] =	ssyncset.done $0x0  }
0xe4: {  	[sflag:s20] =	ssyncadd.s32 $0xFFFF2000  }
0xe5: {  	[hbm4b:s8+s2] =	stream.linear.scatter [tilespmem:s15], [sflag:$0x4], $0xE000, $0x38;
	[tilespmem:$0x1C000] =	vst v63  }
0xe6: {  	_ = 	snop  }
0xe7: {  	[hbm4b:s9+s2] =	stream.linear.scatter [tilespmem:s15], [sflag:$0x4], $0xE000, $0x38;
	[tilespmem:$0x1C000] =	vst v63  }
0xe8: {  	_ = 	snop  }
0xe9: {  	[hbm4b:s10+s2] =	stream.linear.scatter [tilespmem:s15], [sflag:$0x4], $0xE000, $0x38;
	[tilespmem:$0x1C000] =	vst v63  }
0xea: {  	_ = 	snop  }
0xeb: {  	[hbm4b:s11+s2] =	stream.linear.scatter [tilespmem:s15], [sflag:$0x4], $0xE000, $0x38;
	[tilespmem:$0x1C000] =	vst v63  }
0xec: {  	_ =	swait.ge [sflag:s14], $0x8000  }
0xed: {  	[sflag:s14] =	ssyncset.done $0x0  }
0xee: {  	[sflag:s14] =	ssyncadd.s32 $0xFFFF8000  }
0xef: {  	[hbm4b:s5+s2] =	stream.linear.scatter [tilespmem:s2], [sflag:$0x3], $0x8000, $0x38;
	[tilespmem:$0x1C000] =	vst v63  }
0xf0: {  	_ = 	snop  }
0xf1: {  	[hbm4b:s6+s2] =	stream.linear.scatter [tilespmem:s2], [sflag:$0x3], $0x8000, $0x38;
	[tilespmem:$0x1C000] =	vst v63  }
0xf2: {  	_ = 	snop  }
0xf3: {  	[hbm4b:s7+s2] =	stream.linear.scatter [tilespmem:s2], [sflag:$0x3], $0x8000, $0x38;
	[tilespmem:$0x1C000] =	vst v63  }
0xf4: {  	_ = 	snop  }
0xf5: {  	[hbm4b:s12+s2] =	stream.linear.scatter [tilespmem:s2], [sflag:$0x3], $0x8000, $0x38;
	[tilespmem:$0x1C000] =	vst v63  }
0xf6: {  	_ =	swait.ge [sflag:s4], $0xE000  }
0xf7: {  	[sflag:s4] =	ssyncset.done $0x0  }
0xf8: {  	[sflag:s4] =	ssyncadd.s32 $0xFFFF2000  }
0xf9: {  	_ =	swait.ge [sflag:s4], $0xE000  }
0xfa: {  	[sflag:s4] =	ssyncset.done $0x0  }
0xfb: {  	[sflag:s4] =	ssyncadd.s32 $0xFFFF2000  }
0xfc: {  	_ =	swait.ge [sflag:s4], $0xE000  }
0xfd: {  	[sflag:s4] =	ssyncset.done $0x0  }
0xfe: {  	[sflag:s4] =	ssyncadd.s32 $0xFFFF2000  }
0xff: {  	_ =	swait.ge [sflag:s4], $0xE000  }
0x100: {  	[sflag:s4] =	ssyncset.done $0x0  }
0x101: {  	[sflag:s4] =	ssyncadd.s32 $0xFFFF2000  }
0x102: {  	_ =	swait.ge [sflag:s3], $0x8000  }
0x103: {  	[sflag:s3] =	ssyncset.done $0x0  }
0x104: {  	[sflag:s3] =	ssyncadd.s32 $0xFFFF8000  }
0x105: {  	_ =	swait.ge [sflag:s3], $0x8000  }
0x106: {  	[sflag:s3] =	ssyncset.done $0x0  }
0x107: {  	p1 =	sne.s32 s0, $0x1;
	[sflag:s3] =	ssyncadd.s32 $0xFFFF8000  }
.Ltmp2:
0x108: {  	_ =	swait.ge [sflag:s3], $0x8000;
	(pc) =	sbr.rel @p1 .LBB2_2-.Ltmp2, $4  }
0x109: {  	[sflag:s3] =	ssyncset.done $0x0  }
0x10a: {  	[sflag:s3] =	ssyncadd.s32 $0xFFFF8000  }
0x10b: {  	_ =	swait.ge [sflag:s3], $0x8000  }
0x10c: {  	s0 =	sadd.s32 $0xFFFFFFFF, s0;
	s1 =	rddreg [dreg:$0x3];
	[sflag:s3] =	ssyncset.done $0x0  }
.LBB2_3:
0x10d: {  	[sflag:s3] =	ssyncadd.s32 @p0 $0xFFFF8000  }
0x10e: {  	[tilespmem:s2], [sflag:$0x1] =	stream.linear.gather [hbm4b:s1+s2], $0xE000, $0x38;
	[tilespmem:$0x1C000] =	vst v63  }
0x10f: {  	s0 =	rddreg [dreg:$0x4]  }
0x110: {  	[tilespmem:s15], [sflag:$0x2] =	stream.linear.gather [hbm4b:s0+s2], $0xE000, $0x38;
	[tilespmem:$0x1C000] =	vst v63  }
0x111: {  	_ =	swait.ge [sflag:s14], $0xE000  }
0x112: {  	[sflag:s14] =	ssyncset.done $0x0  }
0x113: {  	[sflag:s14] =	ssyncadd.s32 $0xFFFF2000  }
0x114: {  	[hbm4b:s28+s2] =	stream.linear.scatter [tilespmem:s2], [sflag:$0x3], $0xE000, $0x38;
	[tilespmem:$0x1C000] =	vst v63  }
0x115: {  	_ = 	snop  }
0x116: {  	[hbm4b:s29+s2] =	stream.linear.scatter [tilespmem:s2], [sflag:$0x3], $0xE000, $0x38;
	[tilespmem:$0x1C000] =	vst v63  }
0x117: {  	_ = 	snop  }
0x118: {  	[hbm4b:s30+s2] =	stream.linear.scatter [tilespmem:s2], [sflag:$0x3], $0xE000, $0x38;
	[tilespmem:$0x1C000] =	vst v63  }
0x119: {  	_ = 	snop  }
0x11a: {  	[hbm4b:s31+s2] =	stream.linear.scatter [tilespmem:s2], [sflag:$0x3], $0xE000, $0x38;
	[tilespmem:$0x1C000] =	vst v63  }
0x11b: {  	_ =	swait.ge [sflag:s3], $0xE000  }
0x11c: {  	[sflag:s3] =	ssyncset.done $0x0  }
0x11d: {  	[sflag:s3] =	ssyncadd.s32 $0xFFFF2000  }
0x11e: {  	_ =	swait.ge [sflag:s3], $0xE000  }
0x11f: {  	[sflag:s3] =	ssyncset.done $0x0  }
0x120: {  	[sflag:s3] =	ssyncadd.s32 $0xFFFF2000  }
0x121: {  	_ =	swait.ge [sflag:s3], $0xE000  }
0x122: {  	[sflag:s3] =	ssyncset.done $0x0  }
0x123: {  	[sflag:s3] =	ssyncadd.s32 $0xFFFF2000  }
0x124: {  	_ =	swait.ge [sflag:s3], $0xE000  }
0x125: {  	[sflag:s3] =	ssyncset.done $0x0  }
0x126: {  	[sflag:s3] =	ssyncadd.s32 $0xFFFF2000  }
0x127: {  	[tilespmem:s2], [sflag:$0x1] =	stream.linear.gather [hbm4b:s26+s2], $0xE000, $0x38;
	[tilespmem:$0x1C000] =	vst v63  }
0x128: {  	_ =	swait.ge [sflag:s20], $0xE000  }
0x129: {  	[sflag:s20] =	ssyncset.done $0x0  }
0x12a: {  	[sflag:s20] =	ssyncadd.s32 $0xFFFF2000  }
0x12b: {  	[hbm4b:s22+s2] =	stream.linear.scatter [tilespmem:s15], [sflag:$0x4], $0xE000, $0x38;
	[tilespmem:$0x1C000] =	vst v63  }
0x12c: {  	_ = 	snop  }
0x12d: {  	[hbm4b:s23+s2] =	stream.linear.scatter [tilespmem:s15], [sflag:$0x4], $0xE000, $0x38;
	[tilespmem:$0x1C000] =	vst v63  }
0x12e: {  	_ = 	snop  }
0x12f: {  	[hbm4b:s24+s2] =	stream.linear.scatter [tilespmem:s15], [sflag:$0x4], $0xE000, $0x38;
	[tilespmem:$0x1C000] =	vst v63  }
0x130: {  	_ = 	snop  }
0x131: {  	[hbm4b:s25+s2] =	stream.linear.scatter [tilespmem:s15], [sflag:$0x4], $0xE000, $0x38;
	[tilespmem:$0x1C000] =	vst v63  }
0x132: {  	_ =	swait.ge [sflag:s4], $0xE000  }
0x133: {  	[sflag:s4] =	ssyncset.done $0x0  }
0x134: {  	[sflag:s4] =	ssyncadd.s32 $0xFFFF2000  }
0x135: {  	_ =	swait.ge [sflag:s4], $0xE000  }
0x136: {  	[sflag:s4] =	ssyncset.done $0x0  }
0x137: {  	[sflag:s4] =	ssyncadd.s32 $0xFFFF2000  }
0x138: {  	_ =	swait.ge [sflag:s4], $0xE000  }
0x139: {  	[sflag:s4] =	ssyncset.done $0x0  }
0x13a: {  	[sflag:s4] =	ssyncadd.s32 $0xFFFF2000  }
0x13b: {  	_ =	swait.ge [sflag:s4], $0xE000  }
0x13c: {  	[sflag:s4] =	ssyncset.done $0x0  }
0x13d: {  	[sflag:s4] =	ssyncadd.s32 $0xFFFF2000  }
0x13e: {  	[tilespmem:s15], [sflag:$0x2] =	stream.linear.gather [hbm4b:s21+s2], $0xE000, $0x38;
	[tilespmem:$0x1C000] =	vst v63  }
0x13f: {  	_ =	swait.ge [sflag:s14], $0xE000  }
0x140: {  	[sflag:s14] =	ssyncset.done $0x0  }
0x141: {  	[sflag:s14] =	ssyncadd.s32 $0xFFFF2000  }
0x142: {  	[hbm4b:s16+s2] =	stream.linear.scatter [tilespmem:s2], [sflag:$0x3], $0xE000, $0x38;
	[tilespmem:$0x1C000] =	vst v63  }
0x143: {  	_ = 	snop  }
0x144: {  	[hbm4b:s17+s2] =	stream.linear.scatter [tilespmem:s2], [sflag:$0x3], $0xE000, $0x38;
	[tilespmem:$0x1C000] =	vst v63  }
0x145: {  	_ = 	snop  }
0x146: {  	[hbm4b:s18+s2] =	stream.linear.scatter [tilespmem:s2], [sflag:$0x3], $0xE000, $0x38;
	[tilespmem:$0x1C000] =	vst v63  }
0x147: {  	_ = 	snop  }
0x148: {  	[hbm4b:s19+s2] =	stream.linear.scatter [tilespmem:s2], [sflag:$0x3], $0xE000, $0x38;
	[tilespmem:$0x1C000] =	vst v63  }
0x149: {  	_ =	swait.ge [sflag:s3], $0xE000  }
0x14a: {  	[sflag:s3] =	ssyncset.done $0x0  }
0x14b: {  	[sflag:s3] =	ssyncadd.s32 $0xFFFF2000  }
0x14c: {  	_ =	swait.ge [sflag:s3], $0xE000  }
0x14d: {  	[sflag:s3] =	ssyncset.done $0x0  }
0x14e: {  	[sflag:s3] =	ssyncadd.s32 $0xFFFF2000  }
0x14f: {  	_ =	swait.ge [sflag:s3], $0xE000  }
0x150: {  	[sflag:s3] =	ssyncset.done $0x0  }
0x151: {  	[sflag:s3] =	ssyncadd.s32 $0xFFFF2000  }
0x152: {  	_ =	swait.ge [sflag:s3], $0xE000  }
0x153: {  	[sflag:s3] =	ssyncset.done $0x0  }
0x154: {  	[sflag:s3] =	ssyncadd.s32 $0xFFFF2000  }
0x155: {  	[tilespmem:s2], [sflag:$0x1] =	stream.linear.gather [hbm4b:s13+s2], $0x8000, $0x38;
	[tilespmem:$0x1C000] =	vst v63  }
0x156: {  	_ =	swait.ge [sflag:s20], $0xE000  }
0x157: {  	[sflag:s20] =	ssyncset.done $0x0  }
0x158: {  	[sflag:s20] =	ssyncadd.s32 $0xFFFF2000  }
0x159: {  	[hbm4b:s8+s2] =	stream.linear.scatter [tilespmem:s15], [sflag:$0x4], $0xE000, $0x38;
	[tilespmem:$0x1C000] =	vst v63  }
0x15a: {  	_ = 	snop  }
0x15b: {  	[hbm4b:s9+s2] =	stream.linear.scatter [tilespmem:s15], [sflag:$0x4], $0xE000, $0x38;
	[tilespmem:$0x1C000] =	vst v63  }
0x15c: {  	_ = 	snop  }
0x15d: {  	[hbm4b:s10+s2] =	stream.linear.scatter [tilespmem:s15], [sflag:$0x4], $0xE000, $0x38;
	[tilespmem:$0x1C000] =	vst v63  }
0x15e: {  	_ = 	snop  }
0x15f: {  	[hbm4b:s11+s2] =	stream.linear.scatter [tilespmem:s15], [sflag:$0x4], $0xE000, $0x38;
	[tilespmem:$0x1C000] =	vst v63  }
0x160: {  	_ =	swait.ge [sflag:s14], $0x8000  }
0x161: {  	[sflag:s14] =	ssyncset.done $0x0  }
0x162: {  	[sflag:s14] =	ssyncadd.s32 $0xFFFF8000  }
0x163: {  	[hbm4b:s5+s2] =	stream.linear.scatter [tilespmem:s2], [sflag:$0x3], $0x8000, $0x38;
	[tilespmem:$0x1C000] =	vst v63  }
0x164: {  	_ = 	snop  }
0x165: {  	[hbm4b:s6+s2] =	stream.linear.scatter [tilespmem:s2], [sflag:$0x3], $0x8000, $0x38;
	[tilespmem:$0x1C000] =	vst v63  }
0x166: {  	_ = 	snop  }
0x167: {  	[hbm4b:s7+s2] =	stream.linear.scatter [tilespmem:s2], [sflag:$0x3], $0x8000, $0x38;
	[tilespmem:$0x1C000] =	vst v63  }
0x168: {  	_ = 	snop  }
0x169: {  	[hbm4b:s12+s2] =	stream.linear.scatter [tilespmem:s2], [sflag:$0x3], $0x8000, $0x38;
	[tilespmem:$0x1C000] =	vst v63  }
0x16a: {  	_ =	swait.ge [sflag:s4], $0xE000  }
0x16b: {  	[sflag:s4] =	ssyncset.done $0x0  }
0x16c: {  	[sflag:s4] =	ssyncadd.s32 $0xFFFF2000  }
0x16d: {  	_ =	swait.ge [sflag:s4], $0xE000  }
0x16e: {  	[sflag:s4] =	ssyncset.done $0x0  }
0x16f: {  	[sflag:s4] =	ssyncadd.s32 $0xFFFF2000  }
0x170: {  	_ =	swait.ge [sflag:s4], $0xE000  }
0x171: {  	[sflag:s4] =	ssyncset.done $0x0  }
0x172: {  	[sflag:s4] =	ssyncadd.s32 $0xFFFF2000  }
0x173: {  	_ =	swait.ge [sflag:s4], $0xE000  }
0x174: {  	[sflag:s4] =	ssyncset.done $0x0  }
0x175: {  	[sflag:s4] =	ssyncadd.s32 $0xFFFF2000  }
0x176: {  	_ =	swait.ge [sflag:s3], $0x8000  }
0x177: {  	[sflag:s3] =	ssyncset.done $0x0  }
0x178: {  	[sflag:s3] =	ssyncadd.s32 $0xFFFF8000  }
0x179: {  	_ =	swait.ge [sflag:s3], $0x8000  }
0x17a: {  	[sflag:s3] =	ssyncset.done $0x0  }
0x17b: {  	[sflag:s3] =	ssyncadd.s32 $0xFFFF8000  }
0x17c: {  	_ =	swait.ge [sflag:s3], $0x8000  }
0x17d: {  	[sflag:s3] =	ssyncset.done $0x0  }
0x17e: {  	[sflag:s3] =	ssyncadd.s32 $0xFFFF8000  }
0x17f: {  	_ =	swait.ge [sflag:s3], $0x8000  }
0x180: {  	[sflag:s3] =	ssyncset.done $0x0  }
0x181: {  	[sflag:s3] =	ssyncadd.s32 $0xFFFF8000  }
0x182: {  	_ =	sfence.sel $0x180000  }
0x183: {  	[bflag:$0x0] =	sbarrier.arrive $0xFFFF  }
0x184: {  	_ =	strace $0x90000047  }
0x185: {  	s31 =	stileid.u32;
	[bflag:$0x2] =	sbarrier.arrive $0xFFFF  }
0x186: {  	p0 =	sne.s32 s31, $0x0;
	s0 =	rddreg [dreg:$0x2]  }
0x187: {  	s0 =	sadd.s32 @!p0 $0x100000, s0  }
0x188: {  	[sflag:s0] =	ssyncadd.tile.s32 @!p0 $0x1;
	_ =	shalt  }
.Lfunc_end2:
_tile_overlayer_lowered:
.L_overlay_start_2:
0x189: {  	(tag) =	ssettag $0x2  }
0x18a: {  	s0 =	rddreg [dreg:$0x0];
	s2 =	stileid.u32  }
0x18b: {  	s1 =	rddreg [dreg:$0x1];
	p0 =	sne.s32 s2, $0x0  }
0x18c: {  	s3 =	rddreg [dreg:$0x2];
	[bflag:$0x3] =	sbarrier.arrive $0xFFFF;
	s2 =	simm.s32 @!p0 $0x1C05  }
0x18d: {  	[timem:s3], [sflag:s2] =	dma.local @!p0 [hbm:s0], s1  }
0x18e: {  	s0 =	simm.s32 @!p0 $0x5  }
0x18f: {  	_ =	swait.ge @!p0 [sflag:s0], s1  }
0x190: {  	s1 =	ssub.s32 @!p0 $0x0, s1;
	[sflag:s0] =	ssyncset.done @!p0 $0x0  }
0x191: {  	[sflag:s0] =	ssyncadd.s32 @!p0 s1  }
0x192: {  	[bflag:$0x3] =	sbarrier.arrive $0xFFFF  }
0x193: {  	_ =	shalt  }

</sc_bundles>
